<compile_context>
chip_gen: v7x
topology: tpu7x:2x2x1
jax: 0.10.2.dev20260603
libtpu: 0.0.44.dev20260713+nightly
codegen_flags: <defaults>
</compile_context>

<pallas_src>
import functools

import jax
import jax.numpy as jnp
from jax import lax
from jax.experimental import pallas as pl
from jax.experimental.pallas import tpu as pltpu
from jax.experimental.pallas import tpu_sc as plsc

F32 = jnp.float32


def _proj_body(x_ref, wa_ref, wb_ref, a_ref, b_ref):
    xb = x_ref[...]
    a_ref[...] = jnp.dot(xb, wa_ref[...], preferred_element_type=F32)
    b_ref[...] = jnp.dot(xb, wb_ref[...], preferred_element_type=F32)


def _node_proj(x, wa, wb):
    n, d = x.shape
    o = wa.shape[1]
    bn = 1000
    return pl.pallas_call(
        _proj_body,
        grid=(n // bn,),
        in_specs=[
            pl.BlockSpec((bn, d), lambda i: (i, 0)),
            pl.BlockSpec((d, o), lambda i: (0, 0)),
            pl.BlockSpec((d, o), lambda i: (0, 0)),
        ],
        out_specs=[
            pl.BlockSpec((bn, o), lambda i: (i, 0)),
            pl.BlockSpec((bn, o), lambda i: (i, 0)),
        ],
        out_shape=[jax.ShapeDtypeStruct((n, o), F32)] * 2,
    )(x, wa, wb)


def _edgec_body(ea_ref, wc_ref, b_ref, c_ref):
    c_ref[...] = (
        jnp.dot(ea_ref[...], wc_ref[...], preferred_element_type=F32)
        + b_ref[...]
    ).astype(jnp.bfloat16)


def _edge_proj(ea, wc, b1):
    e, de = ea.shape
    o = wc.shape[1]
    be = 2000
    return pl.pallas_call(
        _edgec_body,
        grid=(e // be,),
        in_specs=[
            pl.BlockSpec((be, de), lambda i: (i, 0)),
            pl.BlockSpec((de, o), lambda i: (0, 0)),
            pl.BlockSpec((1, o), lambda i: (0, 0)),
        ],
        out_specs=pl.BlockSpec((be, o), lambda i: (i, 0)),
        out_shape=jax.ShapeDtypeStruct((e, o), jnp.bfloat16),
    )(ea, wc, b1.reshape(1, o))


def _make_sc_edge(n, e, o):
    info = plsc.get_sparse_core_info()
    nc, ns = info.num_cores, info.num_subcores
    nw = nc * ns
    epw = e // nw
    ch = 40
    nch = epw // ch
    nzch = n // ch
    zit = (nzch + ns - 1) // ns
    assert epw * nw == e and nch * ch == epw and nzch * ch == n
    assert ch % 8 == 0 and nch % 2 == 0
    nit = nch // 2
    coffs = sorted(set(list(range(0, ch - 15, 16)) + [ch - 16]))

    mesh = plsc.VectorSubcoreMesh(core_axis_name="c", subcore_axis_name="s")

    @functools.partial(
        pl.kernel,
        mesh=mesh,
        out_type=jax.ShapeDtypeStruct((nc, n, o), F32),
        scratch_types=[
            pltpu.VMEM((ch,), jnp.int32),
            pltpu.VMEM((ch,), jnp.int32),
            pltpu.VMEM((ch,), jnp.int32),
            pltpu.VMEM((ch,), jnp.int32),
            pltpu.VMEM((ch,), jnp.int32),
            pltpu.VMEM((ch,), jnp.int32),
            pltpu.VMEM((ch, o), F32),
            pltpu.VMEM((ch, o), F32),
            pltpu.VMEM((ch, o), jnp.bfloat16),
            pltpu.VMEM((ch, o), F32),
            pltpu.VMEM((ch, o), F32),
            pltpu.VMEM((ch, o), F32),
            pltpu.VMEM((ch, o), jnp.bfloat16),
            pltpu.VMEM((ch, o), F32),
            pltpu.VMEM_SHARED((n, o), F32),
            pltpu.SemaphoreType.DMA,
            pltpu.SemaphoreType.DMA,
            pltpu.SemaphoreType.DMA,
            pltpu.SemaphoreType.DMA,
            pltpu.SemaphoreType.DMA,
            pltpu.SemaphoreType.DMA,
        ],
    )
    def k(a_hbm, b_hbm, c_hbm, row_hbm, col_hbm, hsum_hbm,
          row0, col0, row1, col1, scol0, scol1,
          a0, b0, c0, h0, a1, b1, c1, h1, hshared,
          g0, g1, s0, s1, i0, i1):
        cid = lax.axis_index("c")
        sid = lax.axis_index("s")
        wid = sid * nc + cid
        ebase = wid * epw

        rows, cols, scols = [row0, row1], [col0, col1], [scol0, scol1]
        A, B, C, H = [a0, a1], [b0, b1], [c0, c1], [h0, h1]
        gsem, ssem, isem = [g0, g1], [s0, s1], [i0, i1]

        def idx_issue(j, p):
            eoff = ebase + j * ch
            pltpu.async_copy(row_hbm.at[pl.ds(eoff, ch)], rows[p], isem[p])
            pltpu.async_copy(col_hbm.at[pl.ds(eoff, ch)], cols[p], isem[p])

        def idx_drain(p):
            pltpu.make_async_copy(
                row_hbm.at[pl.ds(0, ch)], rows[p], isem[p]).wait()
            pltpu.make_async_copy(
                col_hbm.at[pl.ds(0, ch)], cols[p], isem[p]).wait()

        def gather_issue(j, p):
            eoff = ebase + j * ch
            pltpu.async_copy(a_hbm.at[rows[p]], A[p], gsem[p])
            pltpu.async_copy(b_hbm.at[cols[p]], B[p], gsem[p])
            pltpu.async_copy(c_hbm.at[pl.ds(eoff, ch)], C[p], gsem[p])

        def gather_drain(p):
            pltpu.make_async_copy(a_hbm.at[pl.ds(0, ch)], A[p], gsem[p]).wait()
            pltpu.make_async_copy(a_hbm.at[pl.ds(0, ch)], B[p], gsem[p]).wait()
            pltpu.make_async_copy(c_hbm.at[pl.ds(0, ch)], C[p], gsem[p]).wait()

        def colcopy(p):
            for j in coffs:
                s = pl.ds(j, 16)
                scols[p][s] = cols[p][s]

        def scat_issue(p):
            pltpu.async_copy(H[p], hshared.at[scols[p]], ssem[p], add=True)

        def scat_drain(p):
            pltpu.make_async_copy(
                hsum_hbm.at[0, pl.ds(0, ch)], H[p], ssem[p]).wait()

        def compute(p):
            ap, bp, hp = A[p], B[p], H[p]
            cp = C[p].bitcast(jnp.int32)
            himask = jnp.int32(-65536)

            def rowfn(r, c2):
                for g in range(o // 32):
                    vc = cp[r, pl.ds(g * 16, 16)]
                    clo = lax.bitcast_convert_type(vc << 16, F32)
                    chi = lax.bitcast_convert_type(vc & himask, F32)
                    slo = pl.ds(g * 16, 16)
                    shi = pl.ds(o // 2 + g * 16, 16)
                    hp[r, slo] = jnp.maximum(ap[r, slo] + bp[r, slo] + clo,
                                             0.0)
                    hp[r, shi] = jnp.maximum(ap[r, shi] + bp[r, shi] + chi,
                                             0.0)
                return c2
            lax.fori_loop(0, ch, rowfn, 0)

        zero16 = jnp.zeros((16,), F32)

        def zcp(i, carry):
            for j in range(o // 16):
                h0[i, pl.ds(j * 16, 16)] = zero16
            return carry
        lax.fori_loop(0, ch, zcp, 0)

        def zstripe(i, carry):
            t = sid + i * ns

            @pl.when(t < nzch)
            def _():
                pltpu.sync_copy(h0, hshared.at[pl.ds(t * ch, ch)])
            return carry
        lax.fori_loop(0, zit, zstripe, 0)

        pltpu.sync_copy(row_hbm.at[pl.ds(ebase, ch)], row0)
        pltpu.sync_copy(col_hbm.at[pl.ds(ebase, ch)], col0)
        gather_issue(0, 0)
        pltpu.sync_copy(row_hbm.at[pl.ds(ebase + ch, ch)], row1)
        pltpu.sync_copy(col_hbm.at[pl.ds(ebase + ch, ch)], col1)
        gather_issue(1, 1)
        pltpu.async_copy(hsum_hbm.at[0, pl.ds(0, ch)], h0, s0)
        pltpu.async_copy(hsum_hbm.at[0, pl.ds(0, ch)], h1, s1)
        plsc.subcore_barrier()

        def step(t, carry):
            gather_drain(0)
            scat_drain(0)
            colcopy(0)

            @pl.when(t < nit - 1)
            def _():
                idx_issue(2 * t + 2, 0)
            compute(0)
            scat_issue(0)

            @pl.when(t < nit - 1)
            def _():
                idx_drain(0)
                gather_issue(2 * t + 2, 0)

            gather_drain(1)
            scat_drain(1)
            colcopy(1)

            @pl.when(t < nit - 1)
            def _():
                idx_issue(2 * t + 3, 1)
            compute(1)
            scat_issue(1)

            @pl.when(t < nit - 1)
            def _():
                idx_drain(1)
                gather_issue(2 * t + 3, 1)
            return carry
        lax.fori_loop(0, nit, step, 0)

        scat_drain(0)
        scat_drain(1)

        plsc.subcore_barrier()

        def wstripe(i, carry):
            t = sid + i * ns

            @pl.when(t < nzch)
            def _():
                pltpu.sync_copy(hshared.at[pl.ds(t * ch, ch)], h0)
                pltpu.sync_copy(h0, hsum_hbm.at[cid, pl.ds(t * ch, ch)])
            return carry
        lax.fori_loop(0, zit, wstripe, 0)

    return k


def _upd_body(x_ref, h0_ref, h1_ref, w2_ref,
              wu1a_ref, wu1b_ref, bu1_ref, wu2_ref, bu2_ref, out_ref):
    hsum = h0_ref[...] + h1_ref[...]
    aggr = jnp.dot(hsum, w2_ref[...], preferred_element_type=F32)
    pre = (
        jnp.dot(x_ref[...], wu1a_ref[...], preferred_element_type=F32)
        + jnp.dot(aggr, wu1b_ref[...], preferred_element_type=F32)
        + bu1_ref[...]
    )
    h2 = jnp.maximum(pre, 0.0)
    out_ref[...] = (
        jnp.dot(h2, wu2_ref[...], preferred_element_type=F32) + bu2_ref[...]
    )


def _node_update(x, h0, h1, w2, wu1a, wu1b, bu1, wu2, bu2):
    n, d = x.shape
    o = w2.shape[1]
    bn = 1000
    return pl.pallas_call(
        _upd_body,
        grid=(n // bn,),
        in_specs=[
            pl.BlockSpec((bn, d), lambda i: (i, 0)),
            pl.BlockSpec((bn, o), lambda i: (i, 0)),
            pl.BlockSpec((bn, o), lambda i: (i, 0)),
            pl.BlockSpec((o, o), lambda i: (0, 0)),
            pl.BlockSpec((d, o), lambda i: (0, 0)),
            pl.BlockSpec((o, o), lambda i: (0, 0)),
            pl.BlockSpec((1, o), lambda i: (0, 0)),
            pl.BlockSpec((o, o), lambda i: (0, 0)),
            pl.BlockSpec((1, o), lambda i: (0, 0)),
        ],
        out_specs=pl.BlockSpec((bn, o), lambda i: (i, 0)),
        out_shape=jax.ShapeDtypeStruct((n, o), F32),
    )(x, h0, h1, w2, wu1a, wu1b,
      bu1.reshape(1, o), wu2, bu2.reshape(1, o))


def kernel(x, edge_index, edge_attr, W_msg1, b_msg1, W_msg2, b_msg2,
           W_upd1, b_upd1, W_upd2, b_upd2):
    n, d = x.shape
    e = edge_index.shape[1]
    o = W_msg2.shape[0]

    w1a = W_msg1[:d]
    w1b = W_msg1[d:2 * d]
    w1c = W_msg1[2 * d:]

    sigma = jnp.stack(
        [jnp.arange(0, o // 2), jnp.arange(o // 2, o)], axis=-1).reshape(o)

    a, b = _node_proj(x, w1a, w1b)
    c = _edge_proj(edge_attr, w1c[:, sigma], b_msg1[sigma])

    row = edge_index[0]
    col = edge_index[1]
    hsum_parts = _make_sc_edge(n, e, o)(a, b, c, row, col)

    return _node_update(
        x, hsum_parts[0], hsum_parts[1],
        W_msg2, W_upd1[:d], W_upd1[d:], b_upd1, W_upd2, b_upd2)

# --- scband reference (transcript-rebuilt; emitter-appended) ---
"""Pipeline reference for scband-message-passing-layer-85993835200698 (READ-ONLY COPY).

The authoritative reference and input builder live on the scoring server;
editing this copy changes nothing except your own understanding.
"""

import jax, jax.numpy as jnp
import numpy as np

N, E, D, DE, O = 10000, 320000, 128, 16, 128

def setup_inputs(seed: int = 0) -> dict:
    key = jax.random.key(seed)
    ks = jax.random.split(key, 8)
    x = jax.random.normal(ks[0], (N, D), dtype=jnp.float32)
    edge_index = jax.random.randint(ks[1], (2, E), 0, N, dtype=jnp.int32)
    edge_attr = jax.random.normal(ks[2], (E, DE), dtype=jnp.float32)
    W_msg1 = jax.random.normal(ks[3], (2 * D + DE, O), dtype=jnp.float32) * 0.05
    b_msg1 = jnp.zeros((O,), dtype=jnp.float32)
    W_msg2 = jax.random.normal(ks[4], (O, O), dtype=jnp.float32) * 0.05
    b_msg2 = jnp.zeros((O,), dtype=jnp.float32)
    W_upd1 = jax.random.normal(ks[5], (D + O, O), dtype=jnp.float32) * 0.05
    b_upd1 = jnp.zeros((O,), dtype=jnp.float32)
    W_upd2 = jax.random.normal(ks[6], (O, O), dtype=jnp.float32) * 0.05
    b_upd2 = jnp.zeros((O,), dtype=jnp.float32)
    return {"x": x, "edge_index": edge_index, "edge_attr": edge_attr,
            "W_msg1": W_msg1, "b_msg1": b_msg1, "W_msg2": W_msg2, "b_msg2": b_msg2,
            "W_upd1": W_upd1, "b_upd1": b_upd1, "W_upd2": W_upd2, "b_upd2": b_upd2}

def reference(x, edge_index, edge_attr, W_msg1, b_msg1, W_msg2, b_msg2, W_upd1, b_upd1, W_upd2, b_upd2):
    row = edge_index[0]
    col = edge_index[1]
    x_src = jnp.take(x, row, axis=0)
    x_target = jnp.take(x, col, axis=0)
    msg_input = jnp.concatenate([x_src, x_target, edge_attr], axis=-1)
    h = jax.nn.relu(msg_input @ W_msg1 + b_msg1)
    messages = h @ W_msg2 + b_msg2
    aggr_msg = jnp.zeros((x.shape[0], messages.shape[-1]), dtype=messages.dtype).at[col].add(messages)
    update_input = jnp.concatenate([x, aggr_msg], axis=-1)
    h2 = jax.nn.relu(update_input @ W_upd1 + b_upd1)
    return h2 @ W_upd2 + b_upd2

if __name__ == "__main__":
    import jax
    _d = setup_inputs()
    print(jax.jit(kernel)(*tuple(_d.values())))

</pallas_src>

<mosaic_0001>
#map = affine_map<(d0, d1) -> (0, 0)>
#map1 = affine_map<(d0, d1) -> (0)>
#map2 = affine_map<(d0, d1) -> (0, 0, 0)>
module attributes {stable_mosaic.version = 14 : i64} {
  func.func @k(%arg0: i32, %arg1: i32, %arg2: memref<10000x128xf32, #tpu.memory_space<hbm>>, %arg3: memref<10000x128xf32, #tpu.memory_space<hbm>>, %arg4: memref<320000x128xbf16, #tpu.memory_space<hbm>>, %arg5: memref<320000xi32, #tpu.memory_space<hbm>>, %arg6: memref<320000xi32, #tpu.memory_space<hbm>>, %arg7: memref<2x10000x128xf32, #tpu.memory_space<hbm>>, %arg8: memref<40xi32, #tpu.memory_space<vmem>>, %arg9: memref<40xi32, #tpu.memory_space<vmem>>, %arg10: memref<40xi32, #tpu.memory_space<vmem>>, %arg11: memref<40xi32, #tpu.memory_space<vmem>>, %arg12: memref<40xi32, #tpu.memory_space<vmem>>, %arg13: memref<40xi32, #tpu.memory_space<vmem>>, %arg14: memref<40x128xf32, #tpu.memory_space<vmem>>, %arg15: memref<40x128xf32, #tpu.memory_space<vmem>>, %arg16: memref<40x128xbf16, #tpu.memory_space<vmem>>, %arg17: memref<40x128xf32, #tpu.memory_space<vmem>>, %arg18: memref<40x128xf32, #tpu.memory_space<vmem>>, %arg19: memref<40x128xf32, #tpu.memory_space<vmem>>, %arg20: memref<40x128xbf16, #tpu.memory_space<vmem>>, %arg21: memref<40x128xf32, #tpu.memory_space<vmem>>, %arg22: memref<10000x128xf32, #tpu.memory_space<vmem_shared>>, %arg23: memref<!tpu.dma_semaphore, #tpu.memory_space<semaphore_mem>>, %arg24: memref<!tpu.dma_semaphore, #tpu.memory_space<semaphore_mem>>, %arg25: memref<!tpu.dma_semaphore, #tpu.memory_space<semaphore_mem>>, %arg26: memref<!tpu.dma_semaphore, #tpu.memory_space<semaphore_mem>>, %arg27: memref<!tpu.dma_semaphore, #tpu.memory_space<semaphore_mem>>, %arg28: memref<!tpu.dma_semaphore, #tpu.memory_space<semaphore_mem>>) attributes {dimension_semantics = [#tpu.dimension_semantics<core_parallel>, #tpu.dimension_semantics<subcore_parallel>], iteration_bounds = array<i64: 2, 16>, scalar_prefetch = 0 : i64, scratch_operands = 21 : i64, tpu.core_type = #tpu.core_type<sc_vector_subcore>, window_params = [{transform_indices = #map}, {transform_indices = #map}, {transform_indices = #map}, {transform_indices = #map1}, {transform_indices = #map1}, {transform_indices = #map2}]} {
    %mul3A = arith.constant 2 : i32
    %mul3A_0 = arith.muli %arg1, %mul3A : i32
    %add3A = arith.addi %mul3A_0, %arg0 : i32
    %mul3A_1 = arith.constant 10000 : i32
    %mul3A_2 = arith.muli %add3A, %mul3A_1 : i32
    %broadcast_in_dim3A = arith.constant 0.000000e+00 : f32
    %broadcast_in_dim3A_3 = vector.broadcast %broadcast_in_dim3A : f32 to vector<16xf32>
    %scan3A = arith.constant 0 : i32
    %scan3A_4 = arith.constant 0 : i32
    %scan3A_5 = arith.constant 40 : i32
    %scan3A_6 = arith.addi %scan3A_4, %scan3A_5 : i32
    %scan3A_7 = arith.constant 1 : i32
    scf.for %scan3A_90 = %scan3A_4 to %scan3A_6 step %scan3A_7  : i32 {
      %swap3A = arith.index_cast %scan3A_90 : i32 to index
      %swap3A_91 = arith.constant 0 : index
      %swap3A_92 = tpu.vector_load %arg17[%swap3A, %swap3A_91] {strides = array<i32>} : memref<40x128xf32, #tpu.memory_space<vmem>>, vector<1x16xf32>,
      %swap3A_93 = vector.shape_cast %swap3A_92 : vector<1x16xf32> to vector<16xf32>
      %swap3A_94 = vector.shape_cast %broadcast_in_dim3A_3 : vector<16xf32> to vector<1x16xf32>
      tpu.vector_store %arg17[%swap3A, %swap3A_91], %swap3A_94 {strides = array<i32>} : memref<40x128xf32, #tpu.memory_space<vmem>>, vector<1x16xf32>,
      %swap3A_95 = arith.index_cast %scan3A_90 : i32 to index
      %swap3A_96 = arith.constant 16 : index
      %swap3A_97 = tpu.vector_load %arg17[%swap3A_95, %swap3A_96] {strides = array<i32>} : memref<40x128xf32, #tpu.memory_space<vmem>>, vector<1x16xf32>,
      %swap3A_98 = vector.shape_cast %swap3A_97 : vector<1x16xf32> to vector<16xf32>
      %swap3A_99 = vector.shape_cast %broadcast_in_dim3A_3 : vector<16xf32> to vector<1x16xf32>
      tpu.vector_store %arg17[%swap3A_95, %swap3A_96], %swap3A_99 {strides = array<i32>} : memref<40x128xf32, #tpu.memory_space<vmem>>, vector<1x16xf32>,
      %swap3A_100 = arith.index_cast %scan3A_90 : i32 to index
      %swap3A_101 = arith.constant 32 : index
      %swap3A_102 = tpu.vector_load %arg17[%swap3A_100, %swap3A_101] {strides = array<i32>} : memref<40x128xf32, #tpu.memory_space<vmem>>, vector<1x16xf32>,
      %swap3A_103 = vector.shape_cast %swap3A_102 : vector<1x16xf32> to vector<16xf32>
      %swap3A_104 = vector.shape_cast %broadcast_in_dim3A_3 : vector<16xf32> to vector<1x16xf32>
      tpu.vector_store %arg17[%swap3A_100, %swap3A_101], %swap3A_104 {strides = array<i32>} : memref<40x128xf32, #tpu.memory_space<vmem>>, vector<1x16xf32>,
      %swap3A_105 = arith.index_cast %scan3A_90 : i32 to index
      %swap3A_106 = arith.constant 48 : index
      %swap3A_107 = tpu.vector_load %arg17[%swap3A_105, %swap3A_106] {strides = array<i32>} : memref<40x128xf32, #tpu.memory_space<vmem>>, vector<1x16xf32>,
      %swap3A_108 = vector.shape_cast %swap3A_107 : vector<1x16xf32> to vector<16xf32>
      %swap3A_109 = vector.shape_cast %broadcast_in_dim3A_3 : vector<16xf32> to vector<1x16xf32>
      tpu.vector_store %arg17[%swap3A_105, %swap3A_106], %swap3A_109 {strides = array<i32>} : memref<40x128xf32, #tpu.memory_space<vmem>>, vector<1x16xf32>,
      %swap3A_110 = arith.index_cast %scan3A_90 : i32 to index
      %swap3A_111 = arith.constant 64 : index
      %swap3A_112 = tpu.vector_load %arg17[%swap3A_110, %swap3A_111] {strides = array<i32>} : memref<40x128xf32, #tpu.memory_space<vmem>>, vector<1x16xf32>,
      %swap3A_113 = vector.shape_cast %swap3A_112 : vector<1x16xf32> to vector<16xf32>
      %swap3A_114 = vector.shape_cast %broadcast_in_dim3A_3 : vector<16xf32> to vector<1x16xf32>
      tpu.vector_store %arg17[%swap3A_110, %swap3A_111], %swap3A_114 {strides = array<i32>} : memref<40x128xf32, #tpu.memory_space<vmem>>, vector<1x16xf32>,
      %swap3A_115 = arith.index_cast %scan3A_90 : i32 to index
      %swap3A_116 = arith.constant 80 : index
      %swap3A_117 = tpu.vector_load %arg17[%swap3A_115, %swap3A_116] {strides = array<i32>} : memref<40x128xf32, #tpu.memory_space<vmem>>, vector<1x16xf32>,
      %swap3A_118 = vector.shape_cast %swap3A_117 : vector<1x16xf32> to vector<16xf32>
      %swap3A_119 = vector.shape_cast %broadcast_in_dim3A_3 : vector<16xf32> to vector<1x16xf32>
      tpu.vector_store %arg17[%swap3A_115, %swap3A_116], %swap3A_119 {strides = array<i32>} : memref<40x128xf32, #tpu.memory_space<vmem>>, vector<1x16xf32>,
      %swap3A_120 = arith.index_cast %scan3A_90 : i32 to index
      %swap3A_121 = arith.constant 96 : index
      %swap3A_122 = tpu.vector_load %arg17[%swap3A_120, %swap3A_121] {strides = array<i32>} : memref<40x128xf32, #tpu.memory_space<vmem>>, vector<1x16xf32>,
      %swap3A_123 = vector.shape_cast %swap3A_122 : vector<1x16xf32> to vector<16xf32>
      %swap3A_124 = vector.shape_cast %broadcast_in_dim3A_3 : vector<16xf32> to vector<1x16xf32>
      tpu.vector_store %arg17[%swap3A_120, %swap3A_121], %swap3A_124 {strides = array<i32>} : memref<40x128xf32, #tpu.memory_space<vmem>>, vector<1x16xf32>,
      %swap3A_125 = arith.index_cast %scan3A_90 : i32 to index
      %swap3A_126 = arith.constant 112 : index
      %swap3A_127 = tpu.vector_load %arg17[%swap3A_125, %swap3A_126] {strides = array<i32>} : memref<40x128xf32, #tpu.memory_space<vmem>>, vector<1x16xf32>,
      %swap3A_128 = vector.shape_cast %swap3A_127 : vector<1x16xf32> to vector<16xf32>
      %swap3A_129 = vector.shape_cast %broadcast_in_dim3A_3 : vector<16xf32> to vector<1x16xf32>
      tpu.vector_store %arg17[%swap3A_125, %swap3A_126], %swap3A_129 {strides = array<i32>} : memref<40x128xf32, #tpu.memory_space<vmem>>, vector<1x16xf32>,
    }
    %scan3A_8 = arith.constant 40 : i32
    %scan3A_9 = arith.constant 0 : i32
    %scan3A_10 = arith.constant 0 : i32
    %scan3A_11 = arith.constant 16 : i32
    %scan3A_12 = arith.addi %scan3A_10, %scan3A_11 : i32
    %scan3A_13 = arith.constant 1 : i32
    scf.for %scan3A_90 = %scan3A_10 to %scan3A_12 step %scan3A_13  : i32 {
      %mul3A_91 = arith.constant 16 : i32
      %mul3A_92 = arith.muli %scan3A_90, %mul3A_91 : i32
      %add3A_93 = arith.addi %arg1, %mul3A_92 : i32
      %lt3A = arith.constant 250 : i32
      %lt3A_94 = arith.cmpi slt, %add3A_93, %lt3A : i32
      %convert_element_type3A = arith.extui %lt3A_94 : i1 to i32
      %cond3A = arith.constant 0 : i32
      %cond3A_95 = arith.cmpi ne, %convert_element_type3A, %cond3A : i32
      scf.if %cond3A_95 {
        %mul3A_96 = arith.constant 40 : i32
        %mul3A_97 = arith.muli %add3A_93, %mul3A_96 : i32
        "tpu.region"() ({
          %run_scoped3A = tpu.sem_alloc : memref<!tpu.dma_semaphore, #tpu.memory_space<semaphore_mem>>
          %dma_start3A_98 = arith.constant 0 : i32
          %dma_start3A_99 = tpu.memref_slice %arg22[%mul3A_97, %dma_start3A_98] : memref<10000x128xf32, #tpu.memory_space<vmem_shared>> -> memref<40x128xf32, #tpu.memory_space<vmem_shared>>
          %dma_start3A_100 = arith.constant 0 : i32
          %dma_start3A_101 = tpu.memref_slice %arg22[%mul3A_97, %dma_start3A_100] : memref<10000x128xf32, #tpu.memory_space<vmem_shared>> -> memref<40x128xf32, #tpu.memory_space<vmem_shared>>
          tpu.enqueue_dma source(%arg17 : memref<40x128xf32, #tpu.memory_space<vmem>>) target(%dma_start3A_101 : memref<40x128xf32, #tpu.memory_space<vmem_shared>>) target_semaphore(%run_scoped3A : memref<!tpu.dma_semaphore, #tpu.memory_space<semaphore_mem>>)
          %dma_wait3A_102 = arith.constant 0 : i32
          %dma_wait3A_103 = tpu.memref_slice %arg22[%mul3A_97, %dma_wait3A_102] : memref<10000x128xf32, #tpu.memory_space<vmem_shared>> -> memref<40x128xf32, #tpu.memory_space<vmem_shared>>
          %dma_wait3A_104 = arith.constant 0 : i32
          %dma_wait3A_105 = tpu.memref_slice %arg22[%mul3A_97, %dma_wait3A_104] : memref<10000x128xf32, #tpu.memory_space<vmem_shared>> -> memref<40x128xf32, #tpu.memory_space<vmem_shared>>
          tpu.wait_dma2 semaphore(%run_scoped3A : memref<!tpu.dma_semaphore, #tpu.memory_space<semaphore_mem>>) src(%arg17 : memref<40x128xf32, #tpu.memory_space<vmem>>) dst(%dma_wait3A_105 : memref<40x128xf32, #tpu.memory_space<vmem_shared>>)
          tpu.yield
        }) : () -> ()
      } else {
      }
    }
    %scan3A_14 = arith.constant 16 : i32
    "tpu.region"() ({
      %run_scoped3A = tpu.sem_alloc : memref<!tpu.dma_semaphore, #tpu.memory_space<semaphore_mem>>
      %dma_start3A_90 = tpu.memref_slice %arg5[%mul3A_2] : memref<320000xi32, #tpu.memory_space<hbm>> -> memref<40xi32, #tpu.memory_space<hbm>>
      %dma_start3A_91 = tpu.memref_slice %arg5[%mul3A_2] : memref<320000xi32, #tpu.memory_space<hbm>> -> memref<40xi32, #tpu.memory_space<hbm>>
      tpu.enqueue_dma source(%dma_start3A_91 : memref<40xi32, #tpu.memory_space<hbm>>) target(%arg8 : memref<40xi32, #tpu.memory_space<vmem>>) target_semaphore(%run_scoped3A : memref<!tpu.dma_semaphore, #tpu.memory_space<semaphore_mem>>)
      %dma_wait3A_92 = tpu.memref_slice %arg5[%mul3A_2] : memref<320000xi32, #tpu.memory_space<hbm>> -> memref<40xi32, #tpu.memory_space<hbm>>
      %dma_wait3A_93 = tpu.memref_slice %arg5[%mul3A_2] : memref<320000xi32, #tpu.memory_space<hbm>> -> memref<40xi32, #tpu.memory_space<hbm>>
      tpu.wait_dma2 semaphore(%run_scoped3A : memref<!tpu.dma_semaphore, #tpu.memory_space<semaphore_mem>>) src(%dma_wait3A_93 : memref<40xi32, #tpu.memory_space<hbm>>) dst(%arg8 : memref<40xi32, #tpu.memory_space<vmem>>)
      tpu.yield
    }) : () -> ()
    "tpu.region"() ({
      %run_scoped3A = tpu.sem_alloc : memref<!tpu.dma_semaphore, #tpu.memory_space<semaphore_mem>>
      %dma_start3A_90 = tpu.memref_slice %arg6[%mul3A_2] : memref<320000xi32, #tpu.memory_space<hbm>> -> memref<40xi32, #tpu.memory_space<hbm>>
      %dma_start3A_91 = tpu.memref_slice %arg6[%mul3A_2] : memref<320000xi32, #tpu.memory_space<hbm>> -> memref<40xi32, #tpu.memory_space<hbm>>
      tpu.enqueue_dma source(%dma_start3A_91 : memref<40xi32, #tpu.memory_space<hbm>>) target(%arg9 : memref<40xi32, #tpu.memory_space<vmem>>) target_semaphore(%run_scoped3A : memref<!tpu.dma_semaphore, #tpu.memory_space<semaphore_mem>>)
      %dma_wait3A_92 = tpu.memref_slice %arg6[%mul3A_2] : memref<320000xi32, #tpu.memory_space<hbm>> -> memref<40xi32, #tpu.memory_space<hbm>>
      %dma_wait3A_93 = tpu.memref_slice %arg6[%mul3A_2] : memref<320000xi32, #tpu.memory_space<hbm>> -> memref<40xi32, #tpu.memory_space<hbm>>
      tpu.wait_dma2 semaphore(%run_scoped3A : memref<!tpu.dma_semaphore, #tpu.memory_space<semaphore_mem>>) src(%dma_wait3A_93 : memref<40xi32, #tpu.memory_space<hbm>>) dst(%arg9 : memref<40xi32, #tpu.memory_space<vmem>>)
      tpu.yield
    }) : () -> ()
    %add3A_15 = arith.constant 0 : i32
    %add3A_16 = arith.addi %mul3A_2, %add3A_15 : i32
    %dma_start3A = arith.constant 0 : i32
    %dma_start3A_17 = arith.constant 0 : i32
    %dma_start3A_18 = tpu.memref_slice %arg2[%dma_start3A, %dma_start3A_17] : memref<10000x128xf32, #tpu.memory_space<hbm>> -> memref<10000x128xf32, #tpu.memory_space<hbm>>
    tpu.enqueue_indirect_dma source(%dma_start3A_18 : memref<10000x128xf32, #tpu.memory_space<hbm>>) target(%arg14 : memref<40x128xf32, #tpu.memory_space<vmem>>) offsets(%arg8 : memref<40xi32, #tpu.memory_space<vmem>>) semaphore(%arg23 : memref<!tpu.dma_semaphore, #tpu.memory_space<semaphore_mem>>)
    %dma_start3A_19 = arith.constant 0 : i32
    %dma_start3A_20 = arith.constant 0 : i32
    %dma_start3A_21 = tpu.memref_slice %arg3[%dma_start3A_19, %dma_start3A_20] : memref<10000x128xf32, #tpu.memory_space<hbm>> -> memref<10000x128xf32, #tpu.memory_space<hbm>>
    tpu.enqueue_indirect_dma source(%dma_start3A_21 : memref<10000x128xf32, #tpu.memory_space<hbm>>) target(%arg15 : memref<40x128xf32, #tpu.memory_space<vmem>>) offsets(%arg9 : memref<40xi32, #tpu.memory_space<vmem>>) semaphore(%arg23 : memref<!tpu.dma_semaphore, #tpu.memory_space<semaphore_mem>>)
    %dma_start3A_22 = arith.constant 0 : i32
    %dma_start3A_23 = tpu.memref_slice %arg4[%add3A_16, %dma_start3A_22] : memref<320000x128xbf16, #tpu.memory_space<hbm>> -> memref<40x128xbf16, #tpu.memory_space<hbm>>
    %dma_start3A_24 = arith.constant 0 : i32
    %dma_start3A_25 = tpu.memref_slice %arg4[%add3A_16, %dma_start3A_24] : memref<320000x128xbf16, #tpu.memory_space<hbm>> -> memref<40x128xbf16, #tpu.memory_space<hbm>>
    tpu.enqueue_dma source(%dma_start3A_25 : memref<40x128xbf16, #tpu.memory_space<hbm>>) target(%arg16 : memref<40x128xbf16, #tpu.memory_space<vmem>>) target_semaphore(%arg23 : memref<!tpu.dma_semaphore, #tpu.memory_space<semaphore_mem>>)
    %add3A_26 = arith.constant 40 : i32
    %add3A_27 = arith.addi %mul3A_2, %add3A_26 : i32
    "tpu.region"() ({
      %run_scoped3A = tpu.sem_alloc : memref<!tpu.dma_semaphore, #tpu.memory_space<semaphore_mem>>
      %dma_start3A_90 = tpu.memref_slice %arg5[%add3A_27] : memref<320000xi32, #tpu.memory_space<hbm>> -> memref<40xi32, #tpu.memory_space<hbm>>
      %dma_start3A_91 = tpu.memref_slice %arg5[%add3A_27] : memref<320000xi32, #tpu.memory_space<hbm>> -> memref<40xi32, #tpu.memory_space<hbm>>
      tpu.enqueue_dma source(%dma_start3A_91 : memref<40xi32, #tpu.memory_space<hbm>>) target(%arg10 : memref<40xi32, #tpu.memory_space<vmem>>) target_semaphore(%run_scoped3A : memref<!tpu.dma_semaphore, #tpu.memory_space<semaphore_mem>>)
      %dma_wait3A_92 = tpu.memref_slice %arg5[%add3A_27] : memref<320000xi32, #tpu.memory_space<hbm>> -> memref<40xi32, #tpu.memory_space<hbm>>
      %dma_wait3A_93 = tpu.memref_slice %arg5[%add3A_27] : memref<320000xi32, #tpu.memory_space<hbm>> -> memref<40xi32, #tpu.memory_space<hbm>>
      tpu.wait_dma2 semaphore(%run_scoped3A : memref<!tpu.dma_semaphore, #tpu.memory_space<semaphore_mem>>) src(%dma_wait3A_93 : memref<40xi32, #tpu.memory_space<hbm>>) dst(%arg10 : memref<40xi32, #tpu.memory_space<vmem>>)
      tpu.yield
    }) : () -> ()
    %add3A_28 = arith.constant 40 : i32
    %add3A_29 = arith.addi %mul3A_2, %add3A_28 : i32
    "tpu.region"() ({
      %run_scoped3A = tpu.sem_alloc : memref<!tpu.dma_semaphore, #tpu.memory_space<semaphore_mem>>
      %dma_start3A_90 = tpu.memref_slice %arg6[%add3A_29] : memref<320000xi32, #tpu.memory_space<hbm>> -> memref<40xi32, #tpu.memory_space<hbm>>
      %dma_start3A_91 = tpu.memref_slice %arg6[%add3A_29] : memref<320000xi32, #tpu.memory_space<hbm>> -> memref<40xi32, #tpu.memory_space<hbm>>
      tpu.enqueue_dma source(%dma_start3A_91 : memref<40xi32, #tpu.memory_space<hbm>>) target(%arg11 : memref<40xi32, #tpu.memory_space<vmem>>) target_semaphore(%run_scoped3A : memref<!tpu.dma_semaphore, #tpu.memory_space<semaphore_mem>>)
      %dma_wait3A_92 = tpu.memref_slice %arg6[%add3A_29] : memref<320000xi32, #tpu.memory_space<hbm>> -> memref<40xi32, #tpu.memory_space<hbm>>
      %dma_wait3A_93 = tpu.memref_slice %arg6[%add3A_29] : memref<320000xi32, #tpu.memory_space<hbm>> -> memref<40xi32, #tpu.memory_space<hbm>>
      tpu.wait_dma2 semaphore(%run_scoped3A : memref<!tpu.dma_semaphore, #tpu.memory_space<semaphore_mem>>) src(%dma_wait3A_93 : memref<40xi32, #tpu.memory_space<hbm>>) dst(%arg11 : memref<40xi32, #tpu.memory_space<vmem>>)
      tpu.yield
    }) : () -> ()
    %add3A_30 = arith.constant 40 : i32
    %add3A_31 = arith.addi %mul3A_2, %add3A_30 : i32
    %dma_start3A_32 = arith.constant 0 : i32
    %dma_start3A_33 = arith.constant 0 : i32
    %dma_start3A_34 = tpu.memref_slice %arg2[%dma_start3A_32, %dma_start3A_33] : memref<10000x128xf32, #tpu.memory_space<hbm>> -> memref<10000x128xf32, #tpu.memory_space<hbm>>
    tpu.enqueue_indirect_dma source(%dma_start3A_34 : memref<10000x128xf32, #tpu.memory_space<hbm>>) target(%arg18 : memref<40x128xf32, #tpu.memory_space<vmem>>) offsets(%arg10 : memref<40xi32, #tpu.memory_space<vmem>>) semaphore(%arg24 : memref<!tpu.dma_semaphore, #tpu.memory_space<semaphore_mem>>)
    %dma_start3A_35 = arith.constant 0 : i32
    %dma_start3A_36 = arith.constant 0 : i32
    %dma_start3A_37 = tpu.memref_slice %arg3[%dma_start3A_35, %dma_start3A_36] : memref<10000x128xf32, #tpu.memory_space<hbm>> -> memref<10000x128xf32, #tpu.memory_space<hbm>>
    tpu.enqueue_indirect_dma source(%dma_start3A_37 : memref<10000x128xf32, #tpu.memory_space<hbm>>) target(%arg19 : memref<40x128xf32, #tpu.memory_space<vmem>>) offsets(%arg11 : memref<40xi32, #tpu.memory_space<vmem>>) semaphore(%arg24 : memref<!tpu.dma_semaphore, #tpu.memory_space<semaphore_mem>>)
    %dma_start3A_38 = arith.constant 0 : i32
    %dma_start3A_39 = tpu.memref_slice %arg4[%add3A_31, %dma_start3A_38] : memref<320000x128xbf16, #tpu.memory_space<hbm>> -> memref<40x128xbf16, #tpu.memory_space<hbm>>
    %dma_start3A_40 = arith.constant 0 : i32
    %dma_start3A_41 = tpu.memref_slice %arg4[%add3A_31, %dma_start3A_40] : memref<320000x128xbf16, #tpu.memory_space<hbm>> -> memref<40x128xbf16, #tpu.memory_space<hbm>>
    tpu.enqueue_dma source(%dma_start3A_41 : memref<40x128xbf16, #tpu.memory_space<hbm>>) target(%arg20 : memref<40x128xbf16, #tpu.memory_space<vmem>>) target_semaphore(%arg24 : memref<!tpu.dma_semaphore, #tpu.memory_space<semaphore_mem>>)
    %dma_start3A_42 = arith.constant 0 : i32
    %dma_start3A_43 = arith.constant 0 : i32
    %dma_start3A_44 = arith.constant 0 : i32
    %dma_start3A_45 = tpu.memref_slice %arg7[%dma_start3A_42, %dma_start3A_43, %dma_start3A_44] : memref<2x10000x128xf32, #tpu.memory_space<hbm>> -> memref<1x40x128xf32, #tpu.memory_space<hbm>>
    %dma_start3A_46 = tpu.memref_squeeze %dma_start3A_45 : memref<1x40x128xf32, #tpu.memory_space<hbm>> -> memref<40x128xf32, #tpu.memory_space<hbm>>
    %dma_start3A_47 = arith.constant 0 : i32
    %dma_start3A_48 = arith.constant 0 : i32
    %dma_start3A_49 = tpu.memref_slice %arg7[%dma_start3A_42, %dma_start3A_47, %dma_start3A_48] : memref<2x10000x128xf32, #tpu.memory_space<hbm>> -> memref<1x40x128xf32, #tpu.memory_space<hbm>>
    %dma_start3A_50 = tpu.memref_squeeze %dma_start3A_49 : memref<1x40x128xf32, #tpu.memory_space<hbm>> -> memref<40x128xf32, #tpu.memory_space<hbm>>
    tpu.enqueue_dma source(%dma_start3A_50 : memref<40x128xf32, #tpu.memory_space<hbm>>) target(%arg17 : memref<40x128xf32, #tpu.memory_space<vmem>>) target_semaphore(%arg25 : memref<!tpu.dma_semaphore, #tpu.memory_space<semaphore_mem>>)
    %dma_start3A_51 = arith.constant 0 : i32
    %dma_start3A_52 = arith.constant 0 : i32
    %dma_start3A_53 = arith.constant 0 : i32
    %dma_start3A_54 = tpu.memref_slice %arg7[%dma_start3A_51, %dma_start3A_52, %dma_start3A_53] : memref<2x10000x128xf32, #tpu.memory_space<hbm>> -> memref<1x40x128xf32, #tpu.memory_space<hbm>>
    %dma_start3A_55 = tpu.memref_squeeze %dma_start3A_54 : memref<1x40x128xf32, #tpu.memory_space<hbm>> -> memref<40x128xf32, #tpu.memory_space<hbm>>
    %dma_start3A_56 = arith.constant 0 : i32
    %dma_start3A_57 = arith.constant 0 : i32
    %dma_start3A_58 = tpu.memref_slice %arg7[%dma_start3A_51, %dma_start3A_56, %dma_start3A_57] : memref<2x10000x128xf32, #tpu.memory_space<hbm>> -> memref<1x40x128xf32, #tpu.memory_space<hbm>>
    %dma_start3A_59 = tpu.memref_squeeze %dma_start3A_58 : memref<1x40x128xf32, #tpu.memory_space<hbm>> -> memref<40x128xf32, #tpu.memory_space<hbm>>
    tpu.enqueue_dma source(%dma_start3A_59 : memref<40x128xf32, #tpu.memory_space<hbm>>) target(%arg21 : memref<40x128xf32, #tpu.memory_space<vmem>>) target_semaphore(%arg26 : memref<!tpu.dma_semaphore, #tpu.memory_space<semaphore_mem>>)
    %barrier3A = arith.constant 0 : index
    tpu.barrier barrier_id(%barrier3A)
    %scan3A_60 = arith.constant 0 : i32
    %scan3A_61 = arith.constant 0 : i32
    %scan3A_62 = arith.constant 125 : i32
    %scan3A_63 = arith.addi %scan3A_61, %scan3A_62 : i32
    %scan3A_64 = arith.constant 1 : i32
    scf.for %scan3A_90 = %scan3A_61 to %scan3A_63 step %scan3A_64  : i32 {
      %dma_wait3A_91 = arith.constant 0 : i32
      %dma_wait3A_92 = arith.constant 0 : i32
      %dma_wait3A_93 = tpu.memref_slice %arg2[%dma_wait3A_91, %dma_wait3A_92] : memref<10000x128xf32, #tpu.memory_space<hbm>> -> memref<40x128xf32, #tpu.memory_space<hbm>>
      %dma_wait3A_94 = arith.constant 0 : i32
      %dma_wait3A_95 = arith.constant 0 : i32
      %dma_wait3A_96 = tpu.memref_slice %arg2[%dma_wait3A_94, %dma_wait3A_95] : memref<10000x128xf32, #tpu.memory_space<hbm>> -> memref<40x128xf32, #tpu.memory_space<hbm>>
      tpu.wait_dma2 semaphore(%arg23 : memref<!tpu.dma_semaphore, #tpu.memory_space<semaphore_mem>>) src(%dma_wait3A_96 : memref<40x128xf32, #tpu.memory_space<hbm>>) dst(%arg14 : memref<40x128xf32, #tpu.memory_space<vmem>>)
      %dma_wait3A_97 = arith.constant 0 : i32
      %dma_wait3A_98 = arith.constant 0 : i32
      %dma_wait3A_99 = tpu.memref_slice %arg2[%dma_wait3A_97, %dma_wait3A_98] : memref<10000x128xf32, #tpu.memory_space<hbm>> -> memref<40x128xf32, #tpu.memory_space<hbm>>
      %dma_wait3A_100 = arith.constant 0 : i32
      %dma_wait3A_101 = arith.constant 0 : i32
      %dma_wait3A_102 = tpu.memref_slice %arg2[%dma_wait3A_100, %dma_wait3A_101] : memref<10000x128xf32, #tpu.memory_space<hbm>> -> memref<40x128xf32, #tpu.memory_space<hbm>>
      tpu.wait_dma2 semaphore(%arg23 : memref<!tpu.dma_semaphore, #tpu.memory_space<semaphore_mem>>) src(%dma_wait3A_102 : memref<40x128xf32, #tpu.memory_space<hbm>>) dst(%arg15 : memref<40x128xf32, #tpu.memory_space<vmem>>)
      %dma_wait3A_103 = arith.constant 0 : i32
      %dma_wait3A_104 = arith.constant 0 : i32
      %dma_wait3A_105 = tpu.memref_slice %arg4[%dma_wait3A_103, %dma_wait3A_104] : memref<320000x128xbf16, #tpu.memory_space<hbm>> -> memref<40x128xbf16, #tpu.memory_space<hbm>>
      %dma_wait3A_106 = arith.constant 0 : i32
      %dma_wait3A_107 = arith.constant 0 : i32
      %dma_wait3A_108 = tpu.memref_slice %arg4[%dma_wait3A_106, %dma_wait3A_107] : memref<320000x128xbf16, #tpu.memory_space<hbm>> -> memref<40x128xbf16, #tpu.memory_space<hbm>>
      tpu.wait_dma2 semaphore(%arg23 : memref<!tpu.dma_semaphore, #tpu.memory_space<semaphore_mem>>) src(%dma_wait3A_108 : memref<40x128xbf16, #tpu.memory_space<hbm>>) dst(%arg16 : memref<40x128xbf16, #tpu.memory_space<vmem>>)
      %dma_wait3A_109 = arith.constant 0 : i32
      %dma_wait3A_110 = arith.constant 0 : i32
      %dma_wait3A_111 = arith.constant 0 : i32
      %dma_wait3A_112 = tpu.memref_slice %arg7[%dma_wait3A_109, %dma_wait3A_110, %dma_wait3A_111] : memref<2x10000x128xf32, #tpu.memory_space<hbm>> -> memref<1x40x128xf32, #tpu.memory_space<hbm>>
      %dma_wait3A_113 = tpu.memref_squeeze %dma_wait3A_112 : memref<1x40x128xf32, #tpu.memory_space<hbm>> -> memref<40x128xf32, #tpu.memory_space<hbm>>
      %dma_wait3A_114 = arith.constant 0 : i32
      %dma_wait3A_115 = arith.constant 0 : i32
      %dma_wait3A_116 = tpu.memref_slice %arg7[%dma_wait3A_109, %dma_wait3A_114, %dma_wait3A_115] : memref<2x10000x128xf32, #tpu.memory_space<hbm>> -> memref<1x40x128xf32, #tpu.memory_space<hbm>>
      %dma_wait3A_117 = tpu.memref_squeeze %dma_wait3A_116 : memref<1x40x128xf32, #tpu.memory_space<hbm>> -> memref<40x128xf32, #tpu.memory_space<hbm>>
      tpu.wait_dma2 semaphore(%arg25 : memref<!tpu.dma_semaphore, #tpu.memory_space<semaphore_mem>>) src(%dma_wait3A_117 : memref<40x128xf32, #tpu.memory_space<hbm>>) dst(%arg17 : memref<40x128xf32, #tpu.memory_space<vmem>>)
      %get3A = arith.constant 0 : index
      %get3A_118 = tpu.vector_load %arg9[%get3A] {strides = array<i32>} : memref<40xi32, #tpu.memory_space<vmem>>, vector<16xi32>,
      %get3A_119 = vector.shape_cast %get3A_118 : vector<16xi32> to vector<16xi32>
      %swap3A = arith.constant 0 : index
      %swap3A_120 = tpu.vector_load %arg12[%swap3A] {strides = array<i32>} : memref<40xi32, #tpu.memory_space<vmem>>, vector<16xi32>,
      %swap3A_121 = vector.shape_cast %swap3A_120 : vector<16xi32> to vector<16xi32>
      %swap3A_122 = vector.shape_cast %get3A_119 : vector<16xi32> to vector<16xi32>
      tpu.vector_store %arg12[%swap3A], %swap3A_122 {strides = array<i32>} : memref<40xi32, #tpu.memory_space<vmem>>, vector<16xi32>,
      %get3A_123 = arith.constant 16 : index
      %get3A_124 = tpu.vector_load %arg9[%get3A_123] {strides = array<i32>} : memref<40xi32, #tpu.memory_space<vmem>>, vector<16xi32>,
      %get3A_125 = vector.shape_cast %get3A_124 : vector<16xi32> to vector<16xi32>
      %swap3A_126 = arith.constant 16 : index
      %swap3A_127 = tpu.vector_load %arg12[%swap3A_126] {strides = array<i32>} : memref<40xi32, #tpu.memory_space<vmem>>, vector<16xi32>,
      %swap3A_128 = vector.shape_cast %swap3A_127 : vector<16xi32> to vector<16xi32>
      %swap3A_129 = vector.shape_cast %get3A_125 : vector<16xi32> to vector<16xi32>
      tpu.vector_store %arg12[%swap3A_126], %swap3A_129 {strides = array<i32>} : memref<40xi32, #tpu.memory_space<vmem>>, vector<16xi32>,
      %get3A_130 = arith.constant 24 : index
      %get3A_131 = tpu.vector_load %arg9[%get3A_130] {strides = array<i32>} : memref<40xi32, #tpu.memory_space<vmem>>, vector<16xi32>,
      %get3A_132 = vector.shape_cast %get3A_131 : vector<16xi32> to vector<16xi32>
      %swap3A_133 = arith.constant 24 : index
      %swap3A_134 = tpu.vector_load %arg12[%swap3A_133] {strides = array<i32>} : memref<40xi32, #tpu.memory_space<vmem>>, vector<16xi32>,
      %swap3A_135 = vector.shape_cast %swap3A_134 : vector<16xi32> to vector<16xi32>
      %swap3A_136 = vector.shape_cast %get3A_132 : vector<16xi32> to vector<16xi32>
      tpu.vector_store %arg12[%swap3A_133], %swap3A_136 {strides = array<i32>} : memref<40xi32, #tpu.memory_space<vmem>>, vector<16xi32>,
      %lt3A = arith.constant 124 : i32
      %lt3A_137 = arith.cmpi slt, %scan3A_90, %lt3A : i32
      %convert_element_type3A = arith.extui %lt3A_137 : i1 to i32
      %cond3A = arith.constant 0 : i32
      %cond3A_138 = arith.cmpi ne, %convert_element_type3A, %cond3A : i32
      scf.if %cond3A_138 {
        %mul3A_222 = arith.constant 2 : i32
        %mul3A_223 = arith.muli %mul3A_222, %scan3A_90 : i32
        %add3A_224 = arith.constant 2 : i32
        %add3A_225 = arith.addi %mul3A_223, %add3A_224 : i32
        %mul3A_226 = arith.constant 40 : i32
        %mul3A_227 = arith.muli %add3A_225, %mul3A_226 : i32
        %add3A_228 = arith.addi %mul3A_2, %mul3A_227 : i32
        %dma_start3A_229 = tpu.memref_slice %arg5[%add3A_228] : memref<320000xi32, #tpu.memory_space<hbm>> -> memref<40xi32, #tpu.memory_space<hbm>>
        %dma_start3A_230 = tpu.memref_slice %arg5[%add3A_228] : memref<320000xi32, #tpu.memory_space<hbm>> -> memref<40xi32, #tpu.memory_space<hbm>>
        tpu.enqueue_dma source(%dma_start3A_230 : memref<40xi32, #tpu.memory_space<hbm>>) target(%arg8 : memref<40xi32, #tpu.memory_space<vmem>>) target_semaphore(%arg27 : memref<!tpu.dma_semaphore, #tpu.memory_space<semaphore_mem>>)
        %dma_start3A_231 = tpu.memref_slice %arg6[%add3A_228] : memref<320000xi32, #tpu.memory_space<hbm>> -> memref<40xi32, #tpu.memory_space<hbm>>
        %dma_start3A_232 = tpu.memref_slice %arg6[%add3A_228] : memref<320000xi32, #tpu.memory_space<hbm>> -> memref<40xi32, #tpu.memory_space<hbm>>
        tpu.enqueue_dma source(%dma_start3A_232 : memref<40xi32, #tpu.memory_space<hbm>>) target(%arg9 : memref<40xi32, #tpu.memory_space<vmem>>) target_semaphore(%arg27 : memref<!tpu.dma_semaphore, #tpu.memory_space<semaphore_mem>>)
      } else {
      }
      %scan3A_139 = arith.constant 0 : i32
      %scan3A_140 = arith.constant -65536 : i32
      %scan3A_141 = arith.constant 0 : i32
      %scan3A_142 = arith.constant 40 : i32
      %scan3A_143 = arith.addi %scan3A_141, %scan3A_142 : i32
      %scan3A_144 = arith.constant 1 : i32
      scf.for %scan3A_222 = %scan3A_141 to %scan3A_143 step %scan3A_144  : i32 {
        %get3A_223 = tpu.memref_bitcast %arg16 : memref<40x128xbf16, #tpu.memory_space<vmem>> -> memref<20x128xi32, #tpu.memory_space<vmem>>
        %get3A_224 = arith.index_cast %scan3A_222 : i32 to index
        %get3A_225 = arith.constant 0 : index
        %get3A_226 = tpu.vector_load %get3A_223[%get3A_224, %get3A_225] {strides = array<i32>} : memref<20x128xi32, #tpu.memory_space<vmem>>, vector<1x16xi32>,
        %get3A_227 = vector.shape_cast %get3A_226 : vector<1x16xi32> to vector<16xi32>
        %shift_left3A = arith.constant 16 : i32
        %shift_left3A_228 = vector.broadcast %shift_left3A : i32 to vector<16xi32>
        %shift_left3A_229 = arith.shli %get3A_227, %shift_left3A_228 : vector<16xi32>
        %bitcast_convert_type3A = tpu.bitcast %shift_left3A_229 : vector<16xi32> -> vector<16xf32>
        %and3A = vector.broadcast %scan3A_140 : i32 to vector<16xi32>
        %and3A_230 = arith.andi %get3A_227, %and3A : vector<16xi32>
        %bitcast_convert_type3A_231 = tpu.bitcast %and3A_230 : vector<16xi32> -> vector<16xf32>
        %get3A_232 = arith.index_cast %scan3A_222 : i32 to index
        %get3A_233 = arith.constant 0 : index
        %get3A_234 = tpu.vector_load %arg14[%get3A_232, %get3A_233] {strides = array<i32>} : memref<40x128xf32, #tpu.memory_space<vmem>>, vector<1x16xf32>,
        %get3A_235 = vector.shape_cast %get3A_234 : vector<1x16xf32> to vector<16xf32>
        %get3A_236 = arith.index_cast %scan3A_222 : i32 to index
        %get3A_237 = arith.constant 0 : index
        %get3A_238 = tpu.vector_load %arg15[%get3A_236, %get3A_237] {strides = array<i32>} : memref<40x128xf32, #tpu.memory_space<vmem>>, vector<1x16xf32>,
        %get3A_239 = vector.shape_cast %get3A_238 : vector<1x16xf32> to vector<16xf32>
        %add3A_240 = arith.addf %get3A_235, %get3A_239 : vector<16xf32>
        %add3A_241 = arith.addf %add3A_240, %bitcast_convert_type3A : vector<16xf32>
        %max3A = arith.constant 0.000000e+00 : f32
        %max3A_242 = vector.broadcast %max3A : f32 to vector<16xf32>
        %max3A_243 = arith.maximumf %add3A_241, %max3A_242 : vector<16xf32>
        %swap3A_244 = arith.index_cast %scan3A_222 : i32 to index
        %swap3A_245 = arith.constant 0 : index
        %swap3A_246 = tpu.vector_load %arg17[%swap3A_244, %swap3A_245] {strides = array<i32>} : memref<40x128xf32, #tpu.memory_space<vmem>>, vector<1x16xf32>,
        %swap3A_247 = vector.shape_cast %swap3A_246 : vector<1x16xf32> to vector<16xf32>
        %swap3A_248 = vector.shape_cast %max3A_243 : vector<16xf32> to vector<1x16xf32>
        tpu.vector_store %arg17[%swap3A_244, %swap3A_245], %swap3A_248 {strides = array<i32>} : memref<40x128xf32, #tpu.memory_space<vmem>>, vector<1x16xf32>,
        %get3A_249 = arith.index_cast %scan3A_222 : i32 to index
        %get3A_250 = arith.constant 64 : index
        %get3A_251 = tpu.vector_load %arg14[%get3A_249, %get3A_250] {strides = array<i32>} : memref<40x128xf32, #tpu.memory_space<vmem>>, vector<1x16xf32>,
        %get3A_252 = vector.shape_cast %get3A_251 : vector<1x16xf32> to vector<16xf32>
        %get3A_253 = arith.index_cast %scan3A_222 : i32 to index
        %get3A_254 = arith.constant 64 : index
        %get3A_255 = tpu.vector_load %arg15[%get3A_253, %get3A_254] {strides = array<i32>} : memref<40x128xf32, #tpu.memory_space<vmem>>, vector<1x16xf32>,
        %get3A_256 = vector.shape_cast %get3A_255 : vector<1x16xf32> to vector<16xf32>
        %add3A_257 = arith.addf %get3A_252, %get3A_256 : vector<16xf32>
        %add3A_258 = arith.addf %add3A_257, %bitcast_convert_type3A_231 : vector<16xf32>
        %max3A_259 = arith.constant 0.000000e+00 : f32
        %max3A_260 = vector.broadcast %max3A_259 : f32 to vector<16xf32>
        %max3A_261 = arith.maximumf %add3A_258, %max3A_260 : vector<16xf32>
        %swap3A_262 = arith.index_cast %scan3A_222 : i32 to index
        %swap3A_263 = arith.constant 64 : index
        %swap3A_264 = tpu.vector_load %arg17[%swap3A_262, %swap3A_263] {strides = array<i32>} : memref<40x128xf32, #tpu.memory_space<vmem>>, vector<1x16xf32>,
        %swap3A_265 = vector.shape_cast %swap3A_264 : vector<1x16xf32> to vector<16xf32>
        %swap3A_266 = vector.shape_cast %max3A_261 : vector<16xf32> to vector<1x16xf32>
        tpu.vector_store %arg17[%swap3A_262, %swap3A_263], %swap3A_266 {strides = array<i32>} : memref<40x128xf32, #tpu.memory_space<vmem>>, vector<1x16xf32>,
        %get3A_267 = tpu.memref_bitcast %arg16 : memref<40x128xbf16, #tpu.memory_space<vmem>> -> memref<20x128xi32, #tpu.memory_space<vmem>>
        %get3A_268 = arith.index_cast %scan3A_222 : i32 to index
        %get3A_269 = arith.constant 16 : index
        %get3A_270 = tpu.vector_load %get3A_267[%get3A_268, %get3A_269] {strides = array<i32>} : memref<20x128xi32, #tpu.memory_space<vmem>>, vector<1x16xi32>,
        %get3A_271 = vector.shape_cast %get3A_270 : vector<1x16xi32> to vector<16xi32>
        %shift_left3A_272 = arith.constant 16 : i32
        %shift_left3A_273 = vector.broadcast %shift_left3A_272 : i32 to vector<16xi32>
        %shift_left3A_274 = arith.shli %get3A_271, %shift_left3A_273 : vector<16xi32>
        %bitcast_convert_type3A_275 = tpu.bitcast %shift_left3A_274 : vector<16xi32> -> vector<16xf32>
        %and3A_276 = vector.broadcast %scan3A_140 : i32 to vector<16xi32>
        %and3A_277 = arith.andi %get3A_271, %and3A_276 : vector<16xi32>
        %bitcast_convert_type3A_278 = tpu.bitcast %and3A_277 : vector<16xi32> -> vector<16xf32>
        %get3A_279 = arith.index_cast %scan3A_222 : i32 to index
        %get3A_280 = arith.constant 16 : index
        %get3A_281 = tpu.vector_load %arg14[%get3A_279, %get3A_280] {strides = array<i32>} : memref<40x128xf32, #tpu.memory_space<vmem>>, vector<1x16xf32>,
        %get3A_282 = vector.shape_cast %get3A_281 : vector<1x16xf32> to vector<16xf32>
        %get3A_283 = arith.index_cast %scan3A_222 : i32 to index
        %get3A_284 = arith.constant 16 : index
        %get3A_285 = tpu.vector_load %arg15[%get3A_283, %get3A_284] {strides = array<i32>} : memref<40x128xf32, #tpu.memory_space<vmem>>, vector<1x16xf32>,
        %get3A_286 = vector.shape_cast %get3A_285 : vector<1x16xf32> to vector<16xf32>
        %add3A_287 = arith.addf %get3A_282, %get3A_286 : vector<16xf32>
        %add3A_288 = arith.addf %add3A_287, %bitcast_convert_type3A_275 : vector<16xf32>
        %max3A_289 = arith.constant 0.000000e+00 : f32
        %max3A_290 = vector.broadcast %max3A_289 : f32 to vector<16xf32>
        %max3A_291 = arith.maximumf %add3A_288, %max3A_290 : vector<16xf32>
        %swap3A_292 = arith.index_cast %scan3A_222 : i32 to index
        %swap3A_293 = arith.constant 16 : index
        %swap3A_294 = tpu.vector_load %arg17[%swap3A_292, %swap3A_293] {strides = array<i32>} : memref<40x128xf32, #tpu.memory_space<vmem>>, vector<1x16xf32>,
        %swap3A_295 = vector.shape_cast %swap3A_294 : vector<1x16xf32> to vector<16xf32>
        %swap3A_296 = vector.shape_cast %max3A_291 : vector<16xf32> to vector<1x16xf32>
        tpu.vector_store %arg17[%swap3A_292, %swap3A_293], %swap3A_296 {strides = array<i32>} : memref<40x128xf32, #tpu.memory_space<vmem>>, vector<1x16xf32>,
        %get3A_297 = arith.index_cast %scan3A_222 : i32 to index
        %get3A_298 = arith.constant 80 : index
        %get3A_299 = tpu.vector_load %arg14[%get3A_297, %get3A_298] {strides = array<i32>} : memref<40x128xf32, #tpu.memory_space<vmem>>, vector<1x16xf32>,
        %get3A_300 = vector.shape_cast %get3A_299 : vector<1x16xf32> to vector<16xf32>
        %get3A_301 = arith.index_cast %scan3A_222 : i32 to index
        %get3A_302 = arith.constant 80 : index
        %get3A_303 = tpu.vector_load %arg15[%get3A_301, %get3A_302] {strides = array<i32>} : memref<40x128xf32, #tpu.memory_space<vmem>>, vector<1x16xf32>,
        %get3A_304 = vector.shape_cast %get3A_303 : vector<1x16xf32> to vector<16xf32>
        %add3A_305 = arith.addf %get3A_300, %get3A_304 : vector<16xf32>
        %add3A_306 = arith.addf %add3A_305, %bitcast_convert_type3A_278 : vector<16xf32>
        %max3A_307 = arith.constant 0.000000e+00 : f32
        %max3A_308 = vector.broadcast %max3A_307 : f32 to vector<16xf32>
        %max3A_309 = arith.maximumf %add3A_306, %max3A_308 : vector<16xf32>
        %swap3A_310 = arith.index_cast %scan3A_222 : i32 to index
        %swap3A_311 = arith.constant 80 : index
        %swap3A_312 = tpu.vector_load %arg17[%swap3A_310, %swap3A_311] {strides = array<i32>} : memref<40x128xf32, #tpu.memory_space<vmem>>, vector<1x16xf32>,
        %swap3A_313 = vector.shape_cast %swap3A_312 : vector<1x16xf32> to vector<16xf32>
        %swap3A_314 = vector.shape_cast %max3A_309 : vector<16xf32> to vector<1x16xf32>
        tpu.vector_store %arg17[%swap3A_310, %swap3A_311], %swap3A_314 {strides = array<i32>} : memref<40x128xf32, #tpu.memory_space<vmem>>, vector<1x16xf32>,
        %get3A_315 = tpu.memref_bitcast %arg16 : memref<40x128xbf16, #tpu.memory_space<vmem>> -> memref<20x128xi32, #tpu.memory_space<vmem>>
        %get3A_316 = arith.index_cast %scan3A_222 : i32 to index
        %get3A_317 = arith.constant 32 : index
        %get3A_318 = tpu.vector_load %get3A_315[%get3A_316, %get3A_317] {strides = array<i32>} : memref<20x128xi32, #tpu.memory_space<vmem>>, vector<1x16xi32>,
        %get3A_319 = vector.shape_cast %get3A_318 : vector<1x16xi32> to vector<16xi32>
        %shift_left3A_320 = arith.constant 16 : i32
        %shift_left3A_321 = vector.broadcast %shift_left3A_320 : i32 to vector<16xi32>
        %shift_left3A_322 = arith.shli %get3A_319, %shift_left3A_321 : vector<16xi32>
        %bitcast_convert_type3A_323 = tpu.bitcast %shift_left3A_322 : vector<16xi32> -> vector<16xf32>
        %and3A_324 = vector.broadcast %scan3A_140 : i32 to vector<16xi32>
        %and3A_325 = arith.andi %get3A_319, %and3A_324 : vector<16xi32>
        %bitcast_convert_type3A_326 = tpu.bitcast %and3A_325 : vector<16xi32> -> vector<16xf32>
        %get3A_327 = arith.index_cast %scan3A_222 : i32 to index
        %get3A_328 = arith.constant 32 : index
        %get3A_329 = tpu.vector_load %arg14[%get3A_327, %get3A_328] {strides = array<i32>} : memref<40x128xf32, #tpu.memory_space<vmem>>, vector<1x16xf32>,
        %get3A_330 = vector.shape_cast %get3A_329 : vector<1x16xf32> to vector<16xf32>
        %get3A_331 = arith.index_cast %scan3A_222 : i32 to index
        %get3A_332 = arith.constant 32 : index
        %get3A_333 = tpu.vector_load %arg15[%get3A_331, %get3A_332] {strides = array<i32>} : memref<40x128xf32, #tpu.memory_space<vmem>>, vector<1x16xf32>,
        %get3A_334 = vector.shape_cast %get3A_333 : vector<1x16xf32> to vector<16xf32>
        %add3A_335 = arith.addf %get3A_330, %get3A_334 : vector<16xf32>
        %add3A_336 = arith.addf %add3A_335, %bitcast_convert_type3A_323 : vector<16xf32>
        %max3A_337 = arith.constant 0.000000e+00 : f32
        %max3A_338 = vector.broadcast %max3A_337 : f32 to vector<16xf32>
        %max3A_339 = arith.maximumf %add3A_336, %max3A_338 : vector<16xf32>
        %swap3A_340 = arith.index_cast %scan3A_222 : i32 to index
        %swap3A_341 = arith.constant 32 : index
        %swap3A_342 = tpu.vector_load %arg17[%swap3A_340, %swap3A_341] {strides = array<i32>} : memref<40x128xf32, #tpu.memory_space<vmem>>, vector<1x16xf32>,
        %swap3A_343 = vector.shape_cast %swap3A_342 : vector<1x16xf32> to vector<16xf32>
        %swap3A_344 = vector.shape_cast %max3A_339 : vector<16xf32> to vector<1x16xf32>
        tpu.vector_store %arg17[%swap3A_340, %swap3A_341], %swap3A_344 {strides = array<i32>} : memref<40x128xf32, #tpu.memory_space<vmem>>, vector<1x16xf32>,
        %get3A_345 = arith.index_cast %scan3A_222 : i32 to index
        %get3A_346 = arith.constant 96 : index
        %get3A_347 = tpu.vector_load %arg14[%get3A_345, %get3A_346] {strides = array<i32>} : memref<40x128xf32, #tpu.memory_space<vmem>>, vector<1x16xf32>,
        %get3A_348 = vector.shape_cast %get3A_347 : vector<1x16xf32> to vector<16xf32>
        %get3A_349 = arith.index_cast %scan3A_222 : i32 to index
        %get3A_350 = arith.constant 96 : index
        %get3A_351 = tpu.vector_load %arg15[%get3A_349, %get3A_350] {strides = array<i32>} : memref<40x128xf32, #tpu.memory_space<vmem>>, vector<1x16xf32>,
        %get3A_352 = vector.shape_cast %get3A_351 : vector<1x16xf32> to vector<16xf32>
        %add3A_353 = arith.addf %get3A_348, %get3A_352 : vector<16xf32>
        %add3A_354 = arith.addf %add3A_353, %bitcast_convert_type3A_326 : vector<16xf32>
        %max3A_355 = arith.constant 0.000000e+00 : f32
        %max3A_356 = vector.broadcast %max3A_355 : f32 to vector<16xf32>
        %max3A_357 = arith.maximumf %add3A_354, %max3A_356 : vector<16xf32>
        %swap3A_358 = arith.index_cast %scan3A_222 : i32 to index
        %swap3A_359 = arith.constant 96 : index
        %swap3A_360 = tpu.vector_load %arg17[%swap3A_358, %swap3A_359] {strides = array<i32>} : memref<40x128xf32, #tpu.memory_space<vmem>>, vector<1x16xf32>,
        %swap3A_361 = vector.shape_cast %swap3A_360 : vector<1x16xf32> to vector<16xf32>
        %swap3A_362 = vector.shape_cast %max3A_357 : vector<16xf32> to vector<1x16xf32>
        tpu.vector_store %arg17[%swap3A_358, %swap3A_359], %swap3A_362 {strides = array<i32>} : memref<40x128xf32, #tpu.memory_space<vmem>>, vector<1x16xf32>,
        %get3A_363 = tpu.memref_bitcast %arg16 : memref<40x128xbf16, #tpu.memory_space<vmem>> -> memref<20x128xi32, #tpu.memory_space<vmem>>
        %get3A_364 = arith.index_cast %scan3A_222 : i32 to index
        %get3A_365 = arith.constant 48 : index
        %get3A_366 = tpu.vector_load %get3A_363[%get3A_364, %get3A_365] {strides = array<i32>} : memref<20x128xi32, #tpu.memory_space<vmem>>, vector<1x16xi32>,
        %get3A_367 = vector.shape_cast %get3A_366 : vector<1x16xi32> to vector<16xi32>
        %shift_left3A_368 = arith.constant 16 : i32
        %shift_left3A_369 = vector.broadcast %shift_left3A_368 : i32 to vector<16xi32>
        %shift_left3A_370 = arith.shli %get3A_367, %shift_left3A_369 : vector<16xi32>
        %bitcast_convert_type3A_371 = tpu.bitcast %shift_left3A_370 : vector<16xi32> -> vector<16xf32>
        %and3A_372 = vector.broadcast %scan3A_140 : i32 to vector<16xi32>
        %and3A_373 = arith.andi %get3A_367, %and3A_372 : vector<16xi32>
        %bitcast_convert_type3A_374 = tpu.bitcast %and3A_373 : vector<16xi32> -> vector<16xf32>
        %get3A_375 = arith.index_cast %scan3A_222 : i32 to index
        %get3A_376 = arith.constant 48 : index
        %get3A_377 = tpu.vector_load %arg14[%get3A_375, %get3A_376] {strides = array<i32>} : memref<40x128xf32, #tpu.memory_space<vmem>>, vector<1x16xf32>,
        %get3A_378 = vector.shape_cast %get3A_377 : vector<1x16xf32> to vector<16xf32>
        %get3A_379 = arith.index_cast %scan3A_222 : i32 to index
        %get3A_380 = arith.constant 48 : index
        %get3A_381 = tpu.vector_load %arg15[%get3A_379, %get3A_380] {strides = array<i32>} : memref<40x128xf32, #tpu.memory_space<vmem>>, vector<1x16xf32>,
        %get3A_382 = vector.shape_cast %get3A_381 : vector<1x16xf32> to vector<16xf32>
        %add3A_383 = arith.addf %get3A_378, %get3A_382 : vector<16xf32>
        %add3A_384 = arith.addf %add3A_383, %bitcast_convert_type3A_371 : vector<16xf32>
        %max3A_385 = arith.constant 0.000000e+00 : f32
        %max3A_386 = vector.broadcast %max3A_385 : f32 to vector<16xf32>
        %max3A_387 = arith.maximumf %add3A_384, %max3A_386 : vector<16xf32>
        %swap3A_388 = arith.index_cast %scan3A_222 : i32 to index
        %swap3A_389 = arith.constant 48 : index
        %swap3A_390 = tpu.vector_load %arg17[%swap3A_388, %swap3A_389] {strides = array<i32>} : memref<40x128xf32, #tpu.memory_space<vmem>>, vector<1x16xf32>,
        %swap3A_391 = vector.shape_cast %swap3A_390 : vector<1x16xf32> to vector<16xf32>
        %swap3A_392 = vector.shape_cast %max3A_387 : vector<16xf32> to vector<1x16xf32>
        tpu.vector_store %arg17[%swap3A_388, %swap3A_389], %swap3A_392 {strides = array<i32>} : memref<40x128xf32, #tpu.memory_space<vmem>>, vector<1x16xf32>,
        %get3A_393 = arith.index_cast %scan3A_222 : i32 to index
        %get3A_394 = arith.constant 112 : index
        %get3A_395 = tpu.vector_load %arg14[%get3A_393, %get3A_394] {strides = array<i32>} : memref<40x128xf32, #tpu.memory_space<vmem>>, vector<1x16xf32>,
        %get3A_396 = vector.shape_cast %get3A_395 : vector<1x16xf32> to vector<16xf32>
        %get3A_397 = arith.index_cast %scan3A_222 : i32 to index
        %get3A_398 = arith.constant 112 : index
        %get3A_399 = tpu.vector_load %arg15[%get3A_397, %get3A_398] {strides = array<i32>} : memref<40x128xf32, #tpu.memory_space<vmem>>, vector<1x16xf32>,
        %get3A_400 = vector.shape_cast %get3A_399 : vector<1x16xf32> to vector<16xf32>
        %add3A_401 = arith.addf %get3A_396, %get3A_400 : vector<16xf32>
        %add3A_402 = arith.addf %add3A_401, %bitcast_convert_type3A_374 : vector<16xf32>
        %max3A_403 = arith.constant 0.000000e+00 : f32
        %max3A_404 = vector.broadcast %max3A_403 : f32 to vector<16xf32>
        %max3A_405 = arith.maximumf %add3A_402, %max3A_404 : vector<16xf32>
        %swap3A_406 = arith.index_cast %scan3A_222 : i32 to index
        %swap3A_407 = arith.constant 112 : index
        %swap3A_408 = tpu.vector_load %arg17[%swap3A_406, %swap3A_407] {strides = array<i32>} : memref<40x128xf32, #tpu.memory_space<vmem>>, vector<1x16xf32>,
        %swap3A_409 = vector.shape_cast %swap3A_408 : vector<1x16xf32> to vector<16xf32>
        %swap3A_410 = vector.shape_cast %max3A_405 : vector<16xf32> to vector<1x16xf32>
        tpu.vector_store %arg17[%swap3A_406, %swap3A_407], %swap3A_410 {strides = array<i32>} : memref<40x128xf32, #tpu.memory_space<vmem>>, vector<1x16xf32>,
      }
      %scan3A_145 = arith.constant 40 : i32
      %dma_start3A_146 = arith.constant 0 : i32
      %dma_start3A_147 = arith.constant 0 : i32
      %dma_start3A_148 = tpu.memref_slice %arg22[%dma_start3A_146, %dma_start3A_147] : memref<10000x128xf32, #tpu.memory_space<vmem_shared>> -> memref<10000x128xf32, #tpu.memory_space<vmem_shared>>
      tpu.enqueue_indirect_dma source(%arg17 : memref<40x128xf32, #tpu.memory_space<vmem>>) target(%dma_start3A_148 : memref<10000x128xf32, #tpu.memory_space<vmem_shared>>) offsets(%arg12 : memref<40xi32, #tpu.memory_space<vmem>>) semaphore(%arg25 : memref<!tpu.dma_semaphore, #tpu.memory_space<semaphore_mem>>) {add = true}
      %lt3A_149 = arith.constant 124 : i32
      %lt3A_150 = arith.cmpi slt, %scan3A_90, %lt3A_149 : i32
      %convert_element_type3A_151 = arith.extui %lt3A_150 : i1 to i32
      %cond3A_152 = arith.constant 0 : i32
      %cond3A_153 = arith.cmpi ne, %convert_element_type3A_151, %cond3A_152 : i32
      scf.if %cond3A_153 {
        %dma_wait3A_222 = arith.constant 0 : i32
        %dma_wait3A_223 = tpu.memref_slice %arg5[%dma_wait3A_222] : memref<320000xi32, #tpu.memory_space<hbm>> -> memref<40xi32, #tpu.memory_space<hbm>>
        %dma_wait3A_224 = arith.constant 0 : i32
        %dma_wait3A_225 = tpu.memref_slice %arg5[%dma_wait3A_224] : memref<320000xi32, #tpu.memory_space<hbm>> -> memref<40xi32, #tpu.memory_space<hbm>>
        tpu.wait_dma2 semaphore(%arg27 : memref<!tpu.dma_semaphore, #tpu.memory_space<semaphore_mem>>) src(%dma_wait3A_225 : memref<40xi32, #tpu.memory_space<hbm>>) dst(%arg8 : memref<40xi32, #tpu.memory_space<vmem>>)
        %dma_wait3A_226 = arith.constant 0 : i32
        %dma_wait3A_227 = tpu.memref_slice %arg6[%dma_wait3A_226] : memref<320000xi32, #tpu.memory_space<hbm>> -> memref<40xi32, #tpu.memory_space<hbm>>
        %dma_wait3A_228 = arith.constant 0 : i32
        %dma_wait3A_229 = tpu.memref_slice %arg6[%dma_wait3A_228] : memref<320000xi32, #tpu.memory_space<hbm>> -> memref<40xi32, #tpu.memory_space<hbm>>
        tpu.wait_dma2 semaphore(%arg27 : memref<!tpu.dma_semaphore, #tpu.memory_space<semaphore_mem>>) src(%dma_wait3A_229 : memref<40xi32, #tpu.memory_space<hbm>>) dst(%arg9 : memref<40xi32, #tpu.memory_space<vmem>>)
        %mul3A_230 = arith.constant 2 : i32
        %mul3A_231 = arith.muli %mul3A_230, %scan3A_90 : i32
        %add3A_232 = arith.constant 2 : i32
        %add3A_233 = arith.addi %mul3A_231, %add3A_232 : i32
        %mul3A_234 = arith.constant 40 : i32
        %mul3A_235 = arith.muli %add3A_233, %mul3A_234 : i32
        %add3A_236 = arith.addi %mul3A_2, %mul3A_235 : i32
        %dma_start3A_237 = arith.constant 0 : i32
        %dma_start3A_238 = arith.constant 0 : i32
        %dma_start3A_239 = tpu.memref_slice %arg2[%dma_start3A_237, %dma_start3A_238] : memref<10000x128xf32, #tpu.memory_space<hbm>> -> memref<10000x128xf32, #tpu.memory_space<hbm>>
        tpu.enqueue_indirect_dma source(%dma_start3A_239 : memref<10000x128xf32, #tpu.memory_space<hbm>>) target(%arg14 : memref<40x128xf32, #tpu.memory_space<vmem>>) offsets(%arg8 : memref<40xi32, #tpu.memory_space<vmem>>) semaphore(%arg23 : memref<!tpu.dma_semaphore, #tpu.memory_space<semaphore_mem>>)
        %dma_start3A_240 = arith.constant 0 : i32
        %dma_start3A_241 = arith.constant 0 : i32
        %dma_start3A_242 = tpu.memref_slice %arg3[%dma_start3A_240, %dma_start3A_241] : memref<10000x128xf32, #tpu.memory_space<hbm>> -> memref<10000x128xf32, #tpu.memory_space<hbm>>
        tpu.enqueue_indirect_dma source(%dma_start3A_242 : memref<10000x128xf32, #tpu.memory_space<hbm>>) target(%arg15 : memref<40x128xf32, #tpu.memory_space<vmem>>) offsets(%arg9 : memref<40xi32, #tpu.memory_space<vmem>>) semaphore(%arg23 : memref<!tpu.dma_semaphore, #tpu.memory_space<semaphore_mem>>)
        %dma_start3A_243 = arith.constant 0 : i32
        %dma_start3A_244 = tpu.memref_slice %arg4[%add3A_236, %dma_start3A_243] : memref<320000x128xbf16, #tpu.memory_space<hbm>> -> memref<40x128xbf16, #tpu.memory_space<hbm>>
        %dma_start3A_245 = arith.constant 0 : i32
        %dma_start3A_246 = tpu.memref_slice %arg4[%add3A_236, %dma_start3A_245] : memref<320000x128xbf16, #tpu.memory_space<hbm>> -> memref<40x128xbf16, #tpu.memory_space<hbm>>
        tpu.enqueue_dma source(%dma_start3A_246 : memref<40x128xbf16, #tpu.memory_space<hbm>>) target(%arg16 : memref<40x128xbf16, #tpu.memory_space<vmem>>) target_semaphore(%arg23 : memref<!tpu.dma_semaphore, #tpu.memory_space<semaphore_mem>>)
      } else {
      }
      %dma_wait3A_154 = arith.constant 0 : i32
      %dma_wait3A_155 = arith.constant 0 : i32
      %dma_wait3A_156 = tpu.memref_slice %arg2[%dma_wait3A_154, %dma_wait3A_155] : memref<10000x128xf32, #tpu.memory_space<hbm>> -> memref<40x128xf32, #tpu.memory_space<hbm>>
      %dma_wait3A_157 = arith.constant 0 : i32
      %dma_wait3A_158 = arith.constant 0 : i32
      %dma_wait3A_159 = tpu.memref_slice %arg2[%dma_wait3A_157, %dma_wait3A_158] : memref<10000x128xf32, #tpu.memory_space<hbm>> -> memref<40x128xf32, #tpu.memory_space<hbm>>
      tpu.wait_dma2 semaphore(%arg24 : memref<!tpu.dma_semaphore, #tpu.memory_space<semaphore_mem>>) src(%dma_wait3A_159 : memref<40x128xf32, #tpu.memory_space<hbm>>) dst(%arg18 : memref<40x128xf32, #tpu.memory_space<vmem>>)
      %dma_wait3A_160 = arith.constant 0 : i32
      %dma_wait3A_161 = arith.constant 0 : i32
      %dma_wait3A_162 = tpu.memref_slice %arg2[%dma_wait3A_160, %dma_wait3A_161] : memref<10000x128xf32, #tpu.memory_space<hbm>> -> memref<40x128xf32, #tpu.memory_space<hbm>>
      %dma_wait3A_163 = arith.constant 0 : i32
      %dma_wait3A_164 = arith.constant 0 : i32
      %dma_wait3A_165 = tpu.memref_slice %arg2[%dma_wait3A_163, %dma_wait3A_164] : memref<10000x128xf32, #tpu.memory_space<hbm>> -> memref<40x128xf32, #tpu.memory_space<hbm>>
      tpu.wait_dma2 semaphore(%arg24 : memref<!tpu.dma_semaphore, #tpu.memory_space<semaphore_mem>>) src(%dma_wait3A_165 : memref<40x128xf32, #tpu.memory_space<hbm>>) dst(%arg19 : memref<40x128xf32, #tpu.memory_space<vmem>>)
      %dma_wait3A_166 = arith.constant 0 : i32
      %dma_wait3A_167 = arith.constant 0 : i32
      %dma_wait3A_168 = tpu.memref_slice %arg4[%dma_wait3A_166, %dma_wait3A_167] : memref<320000x128xbf16, #tpu.memory_space<hbm>> -> memref<40x128xbf16, #tpu.memory_space<hbm>>
      %dma_wait3A_169 = arith.constant 0 : i32
      %dma_wait3A_170 = arith.constant 0 : i32
      %dma_wait3A_171 = tpu.memref_slice %arg4[%dma_wait3A_169, %dma_wait3A_170] : memref<320000x128xbf16, #tpu.memory_space<hbm>> -> memref<40x128xbf16, #tpu.memory_space<hbm>>
      tpu.wait_dma2 semaphore(%arg24 : memref<!tpu.dma_semaphore, #tpu.memory_space<semaphore_mem>>) src(%dma_wait3A_171 : memref<40x128xbf16, #tpu.memory_space<hbm>>) dst(%arg20 : memref<40x128xbf16, #tpu.memory_space<vmem>>)
      %dma_wait3A_172 = arith.constant 0 : i32
      %dma_wait3A_173 = arith.constant 0 : i32
      %dma_wait3A_174 = arith.constant 0 : i32
      %dma_wait3A_175 = tpu.memref_slice %arg7[%dma_wait3A_172, %dma_wait3A_173, %dma_wait3A_174] : memref<2x10000x128xf32, #tpu.memory_space<hbm>> -> memref<1x40x128xf32, #tpu.memory_space<hbm>>
      %dma_wait3A_176 = tpu.memref_squeeze %dma_wait3A_175 : memref<1x40x128xf32, #tpu.memory_space<hbm>> -> memref<40x128xf32, #tpu.memory_space<hbm>>
      %dma_wait3A_177 = arith.constant 0 : i32
      %dma_wait3A_178 = arith.constant 0 : i32
      %dma_wait3A_179 = tpu.memref_slice %arg7[%dma_wait3A_172, %dma_wait3A_177, %dma_wait3A_178] : memref<2x10000x128xf32, #tpu.memory_space<hbm>> -> memref<1x40x128xf32, #tpu.memory_space<hbm>>
      %dma_wait3A_180 = tpu.memref_squeeze %dma_wait3A_179 : memref<1x40x128xf32, #tpu.memory_space<hbm>> -> memref<40x128xf32, #tpu.memory_space<hbm>>
      tpu.wait_dma2 semaphore(%arg26 : memref<!tpu.dma_semaphore, #tpu.memory_space<semaphore_mem>>) src(%dma_wait3A_180 : memref<40x128xf32, #tpu.memory_space<hbm>>) dst(%arg21 : memref<40x128xf32, #tpu.memory_space<vmem>>)
      %get3A_181 = arith.constant 0 : index
      %get3A_182 = tpu.vector_load %arg11[%get3A_181] {strides = array<i32>} : memref<40xi32, #tpu.memory_space<vmem>>, vector<16xi32>,
      %get3A_183 = vector.shape_cast %get3A_182 : vector<16xi32> to vector<16xi32>
      %swap3A_184 = arith.constant 0 : index
      %swap3A_185 = tpu.vector_load %arg13[%swap3A_184] {strides = array<i32>} : memref<40xi32, #tpu.memory_space<vmem>>, vector<16xi32>,
      %swap3A_186 = vector.shape_cast %swap3A_185 : vector<16xi32> to vector<16xi32>
      %swap3A_187 = vector.shape_cast %get3A_183 : vector<16xi32> to vector<16xi32>
      tpu.vector_store %arg13[%swap3A_184], %swap3A_187 {strides = array<i32>} : memref<40xi32, #tpu.memory_space<vmem>>, vector<16xi32>,
      %get3A_188 = arith.constant 16 : index
      %get3A_189 = tpu.vector_load %arg11[%get3A_188] {strides = array<i32>} : memref<40xi32, #tpu.memory_space<vmem>>, vector<16xi32>,
      %get3A_190 = vector.shape_cast %get3A_189 : vector<16xi32> to vector<16xi32>
      %swap3A_191 = arith.constant 16 : index
      %swap3A_192 = tpu.vector_load %arg13[%swap3A_191] {strides = array<i32>} : memref<40xi32, #tpu.memory_space<vmem>>, vector<16xi32>,
      %swap3A_193 = vector.shape_cast %swap3A_192 : vector<16xi32> to vector<16xi32>
      %swap3A_194 = vector.shape_cast %get3A_190 : vector<16xi32> to vector<16xi32>
      tpu.vector_store %arg13[%swap3A_191], %swap3A_194 {strides = array<i32>} : memref<40xi32, #tpu.memory_space<vmem>>, vector<16xi32>,
      %get3A_195 = arith.constant 24 : index
      %get3A_196 = tpu.vector_load %arg11[%get3A_195] {strides = array<i32>} : memref<40xi32, #tpu.memory_space<vmem>>, vector<16xi32>,
      %get3A_197 = vector.shape_cast %get3A_196 : vector<16xi32> to vector<16xi32>
      %swap3A_198 = arith.constant 24 : index
      %swap3A_199 = tpu.vector_load %arg13[%swap3A_198] {strides = array<i32>} : memref<40xi32, #tpu.memory_space<vmem>>, vector<16xi32>,
      %swap3A_200 = vector.shape_cast %swap3A_199 : vector<16xi32> to vector<16xi32>
      %swap3A_201 = vector.shape_cast %get3A_197 : vector<16xi32> to vector<16xi32>
      tpu.vector_store %arg13[%swap3A_198], %swap3A_201 {strides = array<i32>} : memref<40xi32, #tpu.memory_space<vmem>>, vector<16xi32>,
      %lt3A_202 = arith.constant 124 : i32
      %lt3A_203 = arith.cmpi slt, %scan3A_90, %lt3A_202 : i32
      %convert_element_type3A_204 = arith.extui %lt3A_203 : i1 to i32
      %cond3A_205 = arith.constant 0 : i32
      %cond3A_206 = arith.cmpi ne, %convert_element_type3A_204, %cond3A_205 : i32
      scf.if %cond3A_206 {
        %mul3A_222 = arith.constant 2 : i32
        %mul3A_223 = arith.muli %mul3A_222, %scan3A_90 : i32
        %add3A_224 = arith.constant 3 : i32
        %add3A_225 = arith.addi %mul3A_223, %add3A_224 : i32
        %mul3A_226 = arith.constant 40 : i32
        %mul3A_227 = arith.muli %add3A_225, %mul3A_226 : i32
        %add3A_228 = arith.addi %mul3A_2, %mul3A_227 : i32
        %dma_start3A_229 = tpu.memref_slice %arg5[%add3A_228] : memref<320000xi32, #tpu.memory_space<hbm>> -> memref<40xi32, #tpu.memory_space<hbm>>
        %dma_start3A_230 = tpu.memref_slice %arg5[%add3A_228] : memref<320000xi32, #tpu.memory_space<hbm>> -> memref<40xi32, #tpu.memory_space<hbm>>
        tpu.enqueue_dma source(%dma_start3A_230 : memref<40xi32, #tpu.memory_space<hbm>>) target(%arg10 : memref<40xi32, #tpu.memory_space<vmem>>) target_semaphore(%arg28 : memref<!tpu.dma_semaphore, #tpu.memory_space<semaphore_mem>>)
        %dma_start3A_231 = tpu.memref_slice %arg6[%add3A_228] : memref<320000xi32, #tpu.memory_space<hbm>> -> memref<40xi32, #tpu.memory_space<hbm>>
        %dma_start3A_232 = tpu.memref_slice %arg6[%add3A_228] : memref<320000xi32, #tpu.memory_space<hbm>> -> memref<40xi32, #tpu.memory_space<hbm>>
        tpu.enqueue_dma source(%dma_start3A_232 : memref<40xi32, #tpu.memory_space<hbm>>) target(%arg11 : memref<40xi32, #tpu.memory_space<vmem>>) target_semaphore(%arg28 : memref<!tpu.dma_semaphore, #tpu.memory_space<semaphore_mem>>)
      } else {
      }
      %scan3A_207 = arith.constant 0 : i32
      %scan3A_208 = arith.constant -65536 : i32
      %scan3A_209 = arith.constant 0 : i32
      %scan3A_210 = arith.constant 40 : i32
      %scan3A_211 = arith.addi %scan3A_209, %scan3A_210 : i32
      %scan3A_212 = arith.constant 1 : i32
      scf.for %scan3A_222 = %scan3A_209 to %scan3A_211 step %scan3A_212  : i32 {
        %get3A_223 = tpu.memref_bitcast %arg20 : memref<40x128xbf16, #tpu.memory_space<vmem>> -> memref<20x128xi32, #tpu.memory_space<vmem>>
        %get3A_224 = arith.index_cast %scan3A_222 : i32 to index
        %get3A_225 = arith.constant 0 : index
        %get3A_226 = tpu.vector_load %get3A_223[%get3A_224, %get3A_225] {strides = array<i32>} : memref<20x128xi32, #tpu.memory_space<vmem>>, vector<1x16xi32>,
        %get3A_227 = vector.shape_cast %get3A_226 : vector<1x16xi32> to vector<16xi32>
        %shift_left3A = arith.constant 16 : i32
        %shift_left3A_228 = vector.broadcast %shift_left3A : i32 to vector<16xi32>
        %shift_left3A_229 = arith.shli %get3A_227, %shift_left3A_228 : vector<16xi32>
        %bitcast_convert_type3A = tpu.bitcast %shift_left3A_229 : vector<16xi32> -> vector<16xf32>
        %and3A = vector.broadcast %scan3A_208 : i32 to vector<16xi32>
        %and3A_230 = arith.andi %get3A_227, %and3A : vector<16xi32>
        %bitcast_convert_type3A_231 = tpu.bitcast %and3A_230 : vector<16xi32> -> vector<16xf32>
        %get3A_232 = arith.index_cast %scan3A_222 : i32 to index
        %get3A_233 = arith.constant 0 : index
        %get3A_234 = tpu.vector_load %arg18[%get3A_232, %get3A_233] {strides = array<i32>} : memref<40x128xf32, #tpu.memory_space<vmem>>, vector<1x16xf32>,
        %get3A_235 = vector.shape_cast %get3A_234 : vector<1x16xf32> to vector<16xf32>
        %get3A_236 = arith.index_cast %scan3A_222 : i32 to index
        %get3A_237 = arith.constant 0 : index
        %get3A_238 = tpu.vector_load %arg19[%get3A_236, %get3A_237] {strides = array<i32>} : memref<40x128xf32, #tpu.memory_space<vmem>>, vector<1x16xf32>,
        %get3A_239 = vector.shape_cast %get3A_238 : vector<1x16xf32> to vector<16xf32>
        %add3A_240 = arith.addf %get3A_235, %get3A_239 : vector<16xf32>
        %add3A_241 = arith.addf %add3A_240, %bitcast_convert_type3A : vector<16xf32>
        %max3A = arith.constant 0.000000e+00 : f32
        %max3A_242 = vector.broadcast %max3A : f32 to vector<16xf32>
        %max3A_243 = arith.maximumf %add3A_241, %max3A_242 : vector<16xf32>
        %swap3A_244 = arith.index_cast %scan3A_222 : i32 to index
        %swap3A_245 = arith.constant 0 : index
        %swap3A_246 = tpu.vector_load %arg21[%swap3A_244, %swap3A_245] {strides = array<i32>} : memref<40x128xf32, #tpu.memory_space<vmem>>, vector<1x16xf32>,
        %swap3A_247 = vector.shape_cast %swap3A_246 : vector<1x16xf32> to vector<16xf32>
        %swap3A_248 = vector.shape_cast %max3A_243 : vector<16xf32> to vector<1x16xf32>
        tpu.vector_store %arg21[%swap3A_244, %swap3A_245], %swap3A_248 {strides = array<i32>} : memref<40x128xf32, #tpu.memory_space<vmem>>, vector<1x16xf32>,
        %get3A_249 = arith.index_cast %scan3A_222 : i32 to index
        %get3A_250 = arith.constant 64 : index
        %get3A_251 = tpu.vector_load %arg18[%get3A_249, %get3A_250] {strides = array<i32>} : memref<40x128xf32, #tpu.memory_space<vmem>>, vector<1x16xf32>,
        %get3A_252 = vector.shape_cast %get3A_251 : vector<1x16xf32> to vector<16xf32>
        %get3A_253 = arith.index_cast %scan3A_222 : i32 to index
        %get3A_254 = arith.constant 64 : index
        %get3A_255 = tpu.vector_load %arg19[%get3A_253, %get3A_254] {strides = array<i32>} : memref<40x128xf32, #tpu.memory_space<vmem>>, vector<1x16xf32>,
        %get3A_256 = vector.shape_cast %get3A_255 : vector<1x16xf32> to vector<16xf32>
        %add3A_257 = arith.addf %get3A_252, %get3A_256 : vector<16xf32>
        %add3A_258 = arith.addf %add3A_257, %bitcast_convert_type3A_231 : vector<16xf32>
        %max3A_259 = arith.constant 0.000000e+00 : f32
        %max3A_260 = vector.broadcast %max3A_259 : f32 to vector<16xf32>
        %max3A_261 = arith.maximumf %add3A_258, %max3A_260 : vector<16xf32>
        %swap3A_262 = arith.index_cast %scan3A_222 : i32 to index
        %swap3A_263 = arith.constant 64 : index
        %swap3A_264 = tpu.vector_load %arg21[%swap3A_262, %swap3A_263] {strides = array<i32>} : memref<40x128xf32, #tpu.memory_space<vmem>>, vector<1x16xf32>,
        %swap3A_265 = vector.shape_cast %swap3A_264 : vector<1x16xf32> to vector<16xf32>
        %swap3A_266 = vector.shape_cast %max3A_261 : vector<16xf32> to vector<1x16xf32>
        tpu.vector_store %arg21[%swap3A_262, %swap3A_263], %swap3A_266 {strides = array<i32>} : memref<40x128xf32, #tpu.memory_space<vmem>>, vector<1x16xf32>,
        %get3A_267 = tpu.memref_bitcast %arg20 : memref<40x128xbf16, #tpu.memory_space<vmem>> -> memref<20x128xi32, #tpu.memory_space<vmem>>
        %get3A_268 = arith.index_cast %scan3A_222 : i32 to index
        %get3A_269 = arith.constant 16 : index
        %get3A_270 = tpu.vector_load %get3A_267[%get3A_268, %get3A_269] {strides = array<i32>} : memref<20x128xi32, #tpu.memory_space<vmem>>, vector<1x16xi32>,
        %get3A_271 = vector.shape_cast %get3A_270 : vector<1x16xi32> to vector<16xi32>
        %shift_left3A_272 = arith.constant 16 : i32
        %shift_left3A_273 = vector.broadcast %shift_left3A_272 : i32 to vector<16xi32>
        %shift_left3A_274 = arith.shli %get3A_271, %shift_left3A_273 : vector<16xi32>
        %bitcast_convert_type3A_275 = tpu.bitcast %shift_left3A_274 : vector<16xi32> -> vector<16xf32>
        %and3A_276 = vector.broadcast %scan3A_208 : i32 to vector<16xi32>
        %and3A_277 = arith.andi %get3A_271, %and3A_276 : vector<16xi32>
        %bitcast_convert_type3A_278 = tpu.bitcast %and3A_277 : vector<16xi32> -> vector<16xf32>
        %get3A_279 = arith.index_cast %scan3A_222 : i32 to index
        %get3A_280 = arith.constant 16 : index
        %get3A_281 = tpu.vector_load %arg18[%get3A_279, %get3A_280] {strides = array<i32>} : memref<40x128xf32, #tpu.memory_space<vmem>>, vector<1x16xf32>,
        %get3A_282 = vector.shape_cast %get3A_281 : vector<1x16xf32> to vector<16xf32>
        %get3A_283 = arith.index_cast %scan3A_222 : i32 to index
        %get3A_284 = arith.constant 16 : index
        %get3A_285 = tpu.vector_load %arg19[%get3A_283, %get3A_284] {strides = array<i32>} : memref<40x128xf32, #tpu.memory_space<vmem>>, vector<1x16xf32>,
        %get3A_286 = vector.shape_cast %get3A_285 : vector<1x16xf32> to vector<16xf32>
        %add3A_287 = arith.addf %get3A_282, %get3A_286 : vector<16xf32>
        %add3A_288 = arith.addf %add3A_287, %bitcast_convert_type3A_275 : vector<16xf32>
        %max3A_289 = arith.constant 0.000000e+00 : f32
        %max3A_290 = vector.broadcast %max3A_289 : f32 to vector<16xf32>
        %max3A_291 = arith.maximumf %add3A_288, %max3A_290 : vector<16xf32>
        %swap3A_292 = arith.index_cast %scan3A_222 : i32 to index
        %swap3A_293 = arith.constant 16 : index
        %swap3A_294 = tpu.vector_load %arg21[%swap3A_292, %swap3A_293] {strides = array<i32>} : memref<40x128xf32, #tpu.memory_space<vmem>>, vector<1x16xf32>,
        %swap3A_295 = vector.shape_cast %swap3A_294 : vector<1x16xf32> to vector<16xf32>
        %swap3A_296 = vector.shape_cast %max3A_291 : vector<16xf32> to vector<1x16xf32>
        tpu.vector_store %arg21[%swap3A_292, %swap3A_293], %swap3A_296 {strides = array<i32>} : memref<40x128xf32, #tpu.memory_space<vmem>>, vector<1x16xf32>,
        %get3A_297 = arith.index_cast %scan3A_222 : i32 to index
        %get3A_298 = arith.constant 80 : index
        %get3A_299 = tpu.vector_load %arg18[%get3A_297, %get3A_298] {strides = array<i32>} : memref<40x128xf32, #tpu.memory_space<vmem>>, vector<1x16xf32>,
        %get3A_300 = vector.shape_cast %get3A_299 : vector<1x16xf32> to vector<16xf32>
        %get3A_301 = arith.index_cast %scan3A_222 : i32 to index
        %get3A_302 = arith.constant 80 : index
        %get3A_303 = tpu.vector_load %arg19[%get3A_301, %get3A_302] {strides = array<i32>} : memref<40x128xf32, #tpu.memory_space<vmem>>, vector<1x16xf32>,
        %get3A_304 = vector.shape_cast %get3A_303 : vector<1x16xf32> to vector<16xf32>
        %add3A_305 = arith.addf %get3A_300, %get3A_304 : vector<16xf32>
        %add3A_306 = arith.addf %add3A_305, %bitcast_convert_type3A_278 : vector<16xf32>
        %max3A_307 = arith.constant 0.000000e+00 : f32
        %max3A_308 = vector.broadcast %max3A_307 : f32 to vector<16xf32>
        %max3A_309 = arith.maximumf %add3A_306, %max3A_308 : vector<16xf32>
        %swap3A_310 = arith.index_cast %scan3A_222 : i32 to index
        %swap3A_311 = arith.constant 80 : index
        %swap3A_312 = tpu.vector_load %arg21[%swap3A_310, %swap3A_311] {strides = array<i32>} : memref<40x128xf32, #tpu.memory_space<vmem>>, vector<1x16xf32>,
        %swap3A_313 = vector.shape_cast %swap3A_312 : vector<1x16xf32> to vector<16xf32>
        %swap3A_314 = vector.shape_cast %max3A_309 : vector<16xf32> to vector<1x16xf32>
        tpu.vector_store %arg21[%swap3A_310, %swap3A_311], %swap3A_314 {strides = array<i32>} : memref<40x128xf32, #tpu.memory_space<vmem>>, vector<1x16xf32>,
        %get3A_315 = tpu.memref_bitcast %arg20 : memref<40x128xbf16, #tpu.memory_space<vmem>> -> memref<20x128xi32, #tpu.memory_space<vmem>>
        %get3A_316 = arith.index_cast %scan3A_222 : i32 to index
        %get3A_317 = arith.constant 32 : index
        %get3A_318 = tpu.vector_load %get3A_315[%get3A_316, %get3A_317] {strides = array<i32>} : memref<20x128xi32, #tpu.memory_space<vmem>>, vector<1x16xi32>,
        %get3A_319 = vector.shape_cast %get3A_318 : vector<1x16xi32> to vector<16xi32>
        %shift_left3A_320 = arith.constant 16 : i32
        %shift_left3A_321 = vector.broadcast %shift_left3A_320 : i32 to vector<16xi32>
        %shift_left3A_322 = arith.shli %get3A_319, %shift_left3A_321 : vector<16xi32>
        %bitcast_convert_type3A_323 = tpu.bitcast %shift_left3A_322 : vector<16xi32> -> vector<16xf32>
        %and3A_324 = vector.broadcast %scan3A_208 : i32 to vector<16xi32>
        %and3A_325 = arith.andi %get3A_319, %and3A_324 : vector<16xi32>
        %bitcast_convert_type3A_326 = tpu.bitcast %and3A_325 : vector<16xi32> -> vector<16xf32>
        %get3A_327 = arith.index_cast %scan3A_222 : i32 to index
        %get3A_328 = arith.constant 32 : index
        %get3A_329 = tpu.vector_load %arg18[%get3A_327, %get3A_328] {strides = array<i32>} : memref<40x128xf32, #tpu.memory_space<vmem>>, vector<1x16xf32>,
        %get3A_330 = vector.shape_cast %get3A_329 : vector<1x16xf32> to vector<16xf32>
        %get3A_331 = arith.index_cast %scan3A_222 : i32 to index
        %get3A_332 = arith.constant 32 : index
        %get3A_333 = tpu.vector_load %arg19[%get3A_331, %get3A_332] {strides = array<i32>} : memref<40x128xf32, #tpu.memory_space<vmem>>, vector<1x16xf32>,
        %get3A_334 = vector.shape_cast %get3A_333 : vector<1x16xf32> to vector<16xf32>
        %add3A_335 = arith.addf %get3A_330, %get3A_334 : vector<16xf32>
        %add3A_336 = arith.addf %add3A_335, %bitcast_convert_type3A_323 : vector<16xf32>
        %max3A_337 = arith.constant 0.000000e+00 : f32
        %max3A_338 = vector.broadcast %max3A_337 : f32 to vector<16xf32>
        %max3A_339 = arith.maximumf %add3A_336, %max3A_338 : vector<16xf32>
        %swap3A_340 = arith.index_cast %scan3A_222 : i32 to index
        %swap3A_341 = arith.constant 32 : index
        %swap3A_342 = tpu.vector_load %arg21[%swap3A_340, %swap3A_341] {strides = array<i32>} : memref<40x128xf32, #tpu.memory_space<vmem>>, vector<1x16xf32>,
        %swap3A_343 = vector.shape_cast %swap3A_342 : vector<1x16xf32> to vector<16xf32>
        %swap3A_344 = vector.shape_cast %max3A_339 : vector<16xf32> to vector<1x16xf32>
        tpu.vector_store %arg21[%swap3A_340, %swap3A_341], %swap3A_344 {strides = array<i32>} : memref<40x128xf32, #tpu.memory_space<vmem>>, vector<1x16xf32>,
        %get3A_345 = arith.index_cast %scan3A_222 : i32 to index
        %get3A_346 = arith.constant 96 : index
        %get3A_347 = tpu.vector_load %arg18[%get3A_345, %get3A_346] {strides = array<i32>} : memref<40x128xf32, #tpu.memory_space<vmem>>, vector<1x16xf32>,
        %get3A_348 = vector.shape_cast %get3A_347 : vector<1x16xf32> to vector<16xf32>
        %get3A_349 = arith.index_cast %scan3A_222 : i32 to index
        %get3A_350 = arith.constant 96 : index
        %get3A_351 = tpu.vector_load %arg19[%get3A_349, %get3A_350] {strides = array<i32>} : memref<40x128xf32, #tpu.memory_space<vmem>>, vector<1x16xf32>,
        %get3A_352 = vector.shape_cast %get3A_351 : vector<1x16xf32> to vector<16xf32>
        %add3A_353 = arith.addf %get3A_348, %get3A_352 : vector<16xf32>
        %add3A_354 = arith.addf %add3A_353, %bitcast_convert_type3A_326 : vector<16xf32>
        %max3A_355 = arith.constant 0.000000e+00 : f32
        %max3A_356 = vector.broadcast %max3A_355 : f32 to vector<16xf32>
        %max3A_357 = arith.maximumf %add3A_354, %max3A_356 : vector<16xf32>
        %swap3A_358 = arith.index_cast %scan3A_222 : i32 to index
        %swap3A_359 = arith.constant 96 : index
        %swap3A_360 = tpu.vector_load %arg21[%swap3A_358, %swap3A_359] {strides = array<i32>} : memref<40x128xf32, #tpu.memory_space<vmem>>, vector<1x16xf32>,
        %swap3A_361 = vector.shape_cast %swap3A_360 : vector<1x16xf32> to vector<16xf32>
        %swap3A_362 = vector.shape_cast %max3A_357 : vector<16xf32> to vector<1x16xf32>
        tpu.vector_store %arg21[%swap3A_358, %swap3A_359], %swap3A_362 {strides = array<i32>} : memref<40x128xf32, #tpu.memory_space<vmem>>, vector<1x16xf32>,
        %get3A_363 = tpu.memref_bitcast %arg20 : memref<40x128xbf16, #tpu.memory_space<vmem>> -> memref<20x128xi32, #tpu.memory_space<vmem>>
        %get3A_364 = arith.index_cast %scan3A_222 : i32 to index
        %get3A_365 = arith.constant 48 : index
        %get3A_366 = tpu.vector_load %get3A_363[%get3A_364, %get3A_365] {strides = array<i32>} : memref<20x128xi32, #tpu.memory_space<vmem>>, vector<1x16xi32>,
        %get3A_367 = vector.shape_cast %get3A_366 : vector<1x16xi32> to vector<16xi32>
        %shift_left3A_368 = arith.constant 16 : i32
        %shift_left3A_369 = vector.broadcast %shift_left3A_368 : i32 to vector<16xi32>
        %shift_left3A_370 = arith.shli %get3A_367, %shift_left3A_369 : vector<16xi32>
        %bitcast_convert_type3A_371 = tpu.bitcast %shift_left3A_370 : vector<16xi32> -> vector<16xf32>
        %and3A_372 = vector.broadcast %scan3A_208 : i32 to vector<16xi32>
        %and3A_373 = arith.andi %get3A_367, %and3A_372 : vector<16xi32>
        %bitcast_convert_type3A_374 = tpu.bitcast %and3A_373 : vector<16xi32> -> vector<16xf32>
        %get3A_375 = arith.index_cast %scan3A_222 : i32 to index
        %get3A_376 = arith.constant 48 : index
        %get3A_377 = tpu.vector_load %arg18[%get3A_375, %get3A_376] {strides = array<i32>} : memref<40x128xf32, #tpu.memory_space<vmem>>, vector<1x16xf32>,
        %get3A_378 = vector.shape_cast %get3A_377 : vector<1x16xf32> to vector<16xf32>
        %get3A_379 = arith.index_cast %scan3A_222 : i32 to index
        %get3A_380 = arith.constant 48 : index
        %get3A_381 = tpu.vector_load %arg19[%get3A_379, %get3A_380] {strides = array<i32>} : memref<40x128xf32, #tpu.memory_space<vmem>>, vector<1x16xf32>,
        %get3A_382 = vector.shape_cast %get3A_381 : vector<1x16xf32> to vector<16xf32>
        %add3A_383 = arith.addf %get3A_378, %get3A_382 : vector<16xf32>
        %add3A_384 = arith.addf %add3A_383, %bitcast_convert_type3A_371 : vector<16xf32>
        %max3A_385 = arith.constant 0.000000e+00 : f32
        %max3A_386 = vector.broadcast %max3A_385 : f32 to vector<16xf32>
        %max3A_387 = arith.maximumf %add3A_384, %max3A_386 : vector<16xf32>
        %swap3A_388 = arith.index_cast %scan3A_222 : i32 to index
        %swap3A_389 = arith.constant 48 : index
        %swap3A_390 = tpu.vector_load %arg21[%swap3A_388, %swap3A_389] {strides = array<i32>} : memref<40x128xf32, #tpu.memory_space<vmem>>, vector<1x16xf32>,
        %swap3A_391 = vector.shape_cast %swap3A_390 : vector<1x16xf32> to vector<16xf32>
        %swap3A_392 = vector.shape_cast %max3A_387 : vector<16xf32> to vector<1x16xf32>
        tpu.vector_store %arg21[%swap3A_388, %swap3A_389], %swap3A_392 {strides = array<i32>} : memref<40x128xf32, #tpu.memory_space<vmem>>, vector<1x16xf32>,
        %get3A_393 = arith.index_cast %scan3A_222 : i32 to index
        %get3A_394 = arith.constant 112 : index
        %get3A_395 = tpu.vector_load %arg18[%get3A_393, %get3A_394] {strides = array<i32>} : memref<40x128xf32, #tpu.memory_space<vmem>>, vector<1x16xf32>,
        %get3A_396 = vector.shape_cast %get3A_395 : vector<1x16xf32> to vector<16xf32>
        %get3A_397 = arith.index_cast %scan3A_222 : i32 to index
        %get3A_398 = arith.constant 112 : index
        %get3A_399 = tpu.vector_load %arg19[%get3A_397, %get3A_398] {strides = array<i32>} : memref<40x128xf32, #tpu.memory_space<vmem>>, vector<1x16xf32>,
        %get3A_400 = vector.shape_cast %get3A_399 : vector<1x16xf32> to vector<16xf32>
        %add3A_401 = arith.addf %get3A_396, %get3A_400 : vector<16xf32>
        %add3A_402 = arith.addf %add3A_401, %bitcast_convert_type3A_374 : vector<16xf32>
        %max3A_403 = arith.constant 0.000000e+00 : f32
        %max3A_404 = vector.broadcast %max3A_403 : f32 to vector<16xf32>
        %max3A_405 = arith.maximumf %add3A_402, %max3A_404 : vector<16xf32>
        %swap3A_406 = arith.index_cast %scan3A_222 : i32 to index
        %swap3A_407 = arith.constant 112 : index
        %swap3A_408 = tpu.vector_load %arg21[%swap3A_406, %swap3A_407] {strides = array<i32>} : memref<40x128xf32, #tpu.memory_space<vmem>>, vector<1x16xf32>,
        %swap3A_409 = vector.shape_cast %swap3A_408 : vector<1x16xf32> to vector<16xf32>
        %swap3A_410 = vector.shape_cast %max3A_405 : vector<16xf32> to vector<1x16xf32>
        tpu.vector_store %arg21[%swap3A_406, %swap3A_407], %swap3A_410 {strides = array<i32>} : memref<40x128xf32, #tpu.memory_space<vmem>>, vector<1x16xf32>,
      }
      %scan3A_213 = arith.constant 40 : i32
      %dma_start3A_214 = arith.constant 0 : i32
      %dma_start3A_215 = arith.constant 0 : i32
      %dma_start3A_216 = tpu.memref_slice %arg22[%dma_start3A_214, %dma_start3A_215] : memref<10000x128xf32, #tpu.memory_space<vmem_shared>> -> memref<10000x128xf32, #tpu.memory_space<vmem_shared>>
      tpu.enqueue_indirect_dma source(%arg21 : memref<40x128xf32, #tpu.memory_space<vmem>>) target(%dma_start3A_216 : memref<10000x128xf32, #tpu.memory_space<vmem_shared>>) offsets(%arg13 : memref<40xi32, #tpu.memory_space<vmem>>) semaphore(%arg26 : memref<!tpu.dma_semaphore, #tpu.memory_space<semaphore_mem>>) {add = true}
      %lt3A_217 = arith.constant 124 : i32
      %lt3A_218 = arith.cmpi slt, %scan3A_90, %lt3A_217 : i32
      %convert_element_type3A_219 = arith.extui %lt3A_218 : i1 to i32
      %cond3A_220 = arith.constant 0 : i32
      %cond3A_221 = arith.cmpi ne, %convert_element_type3A_219, %cond3A_220 : i32
      scf.if %cond3A_221 {
        %dma_wait3A_222 = arith.constant 0 : i32
        %dma_wait3A_223 = tpu.memref_slice %arg5[%dma_wait3A_222] : memref<320000xi32, #tpu.memory_space<hbm>> -> memref<40xi32, #tpu.memory_space<hbm>>
        %dma_wait3A_224 = arith.constant 0 : i32
        %dma_wait3A_225 = tpu.memref_slice %arg5[%dma_wait3A_224] : memref<320000xi32, #tpu.memory_space<hbm>> -> memref<40xi32, #tpu.memory_space<hbm>>
        tpu.wait_dma2 semaphore(%arg28 : memref<!tpu.dma_semaphore, #tpu.memory_space<semaphore_mem>>) src(%dma_wait3A_225 : memref<40xi32, #tpu.memory_space<hbm>>) dst(%arg10 : memref<40xi32, #tpu.memory_space<vmem>>)
        %dma_wait3A_226 = arith.constant 0 : i32
        %dma_wait3A_227 = tpu.memref_slice %arg6[%dma_wait3A_226] : memref<320000xi32, #tpu.memory_space<hbm>> -> memref<40xi32, #tpu.memory_space<hbm>>
        %dma_wait3A_228 = arith.constant 0 : i32
        %dma_wait3A_229 = tpu.memref_slice %arg6[%dma_wait3A_228] : memref<320000xi32, #tpu.memory_space<hbm>> -> memref<40xi32, #tpu.memory_space<hbm>>
        tpu.wait_dma2 semaphore(%arg28 : memref<!tpu.dma_semaphore, #tpu.memory_space<semaphore_mem>>) src(%dma_wait3A_229 : memref<40xi32, #tpu.memory_space<hbm>>) dst(%arg11 : memref<40xi32, #tpu.memory_space<vmem>>)
        %mul3A_230 = arith.constant 2 : i32
        %mul3A_231 = arith.muli %mul3A_230, %scan3A_90 : i32
        %add3A_232 = arith.constant 3 : i32
        %add3A_233 = arith.addi %mul3A_231, %add3A_232 : i32
        %mul3A_234 = arith.constant 40 : i32
        %mul3A_235 = arith.muli %add3A_233, %mul3A_234 : i32
        %add3A_236 = arith.addi %mul3A_2, %mul3A_235 : i32
        %dma_start3A_237 = arith.constant 0 : i32
        %dma_start3A_238 = arith.constant 0 : i32
        %dma_start3A_239 = tpu.memref_slice %arg2[%dma_start3A_237, %dma_start3A_238] : memref<10000x128xf32, #tpu.memory_space<hbm>> -> memref<10000x128xf32, #tpu.memory_space<hbm>>
        tpu.enqueue_indirect_dma source(%dma_start3A_239 : memref<10000x128xf32, #tpu.memory_space<hbm>>) target(%arg18 : memref<40x128xf32, #tpu.memory_space<vmem>>) offsets(%arg10 : memref<40xi32, #tpu.memory_space<vmem>>) semaphore(%arg24 : memref<!tpu.dma_semaphore, #tpu.memory_space<semaphore_mem>>)
        %dma_start3A_240 = arith.constant 0 : i32
        %dma_start3A_241 = arith.constant 0 : i32
        %dma_start3A_242 = tpu.memref_slice %arg3[%dma_start3A_240, %dma_start3A_241] : memref<10000x128xf32, #tpu.memory_space<hbm>> -> memref<10000x128xf32, #tpu.memory_space<hbm>>
        tpu.enqueue_indirect_dma source(%dma_start3A_242 : memref<10000x128xf32, #tpu.memory_space<hbm>>) target(%arg19 : memref<40x128xf32, #tpu.memory_space<vmem>>) offsets(%arg11 : memref<40xi32, #tpu.memory_space<vmem>>) semaphore(%arg24 : memref<!tpu.dma_semaphore, #tpu.memory_space<semaphore_mem>>)
        %dma_start3A_243 = arith.constant 0 : i32
        %dma_start3A_244 = tpu.memref_slice %arg4[%add3A_236, %dma_start3A_243] : memref<320000x128xbf16, #tpu.memory_space<hbm>> -> memref<40x128xbf16, #tpu.memory_space<hbm>>
        %dma_start3A_245 = arith.constant 0 : i32
        %dma_start3A_246 = tpu.memref_slice %arg4[%add3A_236, %dma_start3A_245] : memref<320000x128xbf16, #tpu.memory_space<hbm>> -> memref<40x128xbf16, #tpu.memory_space<hbm>>
        tpu.enqueue_dma source(%dma_start3A_246 : memref<40x128xbf16, #tpu.memory_space<hbm>>) target(%arg20 : memref<40x128xbf16, #tpu.memory_space<vmem>>) target_semaphore(%arg24 : memref<!tpu.dma_semaphore, #tpu.memory_space<semaphore_mem>>)
      } else {
      }
    }
    %scan3A_65 = arith.constant 125 : i32
    %dma_wait3A = arith.constant 0 : i32
    %dma_wait3A_66 = arith.constant 0 : i32
    %dma_wait3A_67 = arith.constant 0 : i32
    %dma_wait3A_68 = tpu.memref_slice %arg7[%dma_wait3A, %dma_wait3A_66, %dma_wait3A_67] : memref<2x10000x128xf32, #tpu.memory_space<hbm>> -> memref<1x40x128xf32, #tpu.memory_space<hbm>>
    %dma_wait3A_69 = tpu.memref_squeeze %dma_wait3A_68 : memref<1x40x128xf32, #tpu.memory_space<hbm>> -> memref<40x128xf32, #tpu.memory_space<hbm>>
    %dma_wait3A_70 = arith.constant 0 : i32
    %dma_wait3A_71 = arith.constant 0 : i32
    %dma_wait3A_72 = tpu.memref_slice %arg7[%dma_wait3A, %dma_wait3A_70, %dma_wait3A_71] : memref<2x10000x128xf32, #tpu.memory_space<hbm>> -> memref<1x40x128xf32, #tpu.memory_space<hbm>>
    %dma_wait3A_73 = tpu.memref_squeeze %dma_wait3A_72 : memref<1x40x128xf32, #tpu.memory_space<hbm>> -> memref<40x128xf32, #tpu.memory_space<hbm>>
    tpu.wait_dma2 semaphore(%arg25 : memref<!tpu.dma_semaphore, #tpu.memory_space<semaphore_mem>>) src(%dma_wait3A_73 : memref<40x128xf32, #tpu.memory_space<hbm>>) dst(%arg17 : memref<40x128xf32, #tpu.memory_space<vmem>>)
    %dma_wait3A_74 = arith.constant 0 : i32
    %dma_wait3A_75 = arith.constant 0 : i32
    %dma_wait3A_76 = arith.constant 0 : i32
    %dma_wait3A_77 = tpu.memref_slice %arg7[%dma_wait3A_74, %dma_wait3A_75, %dma_wait3A_76] : memref<2x10000x128xf32, #tpu.memory_space<hbm>> -> memref<1x40x128xf32, #tpu.memory_space<hbm>>
    %dma_wait3A_78 = tpu.memref_squeeze %dma_wait3A_77 : memref<1x40x128xf32, #tpu.memory_space<hbm>> -> memref<40x128xf32, #tpu.memory_space<hbm>>
    %dma_wait3A_79 = arith.constant 0 : i32
    %dma_wait3A_80 = arith.constant 0 : i32
    %dma_wait3A_81 = tpu.memref_slice %arg7[%dma_wait3A_74, %dma_wait3A_79, %dma_wait3A_80] : memref<2x10000x128xf32, #tpu.memory_space<hbm>> -> memref<1x40x128xf32, #tpu.memory_space<hbm>>
    %dma_wait3A_82 = tpu.memref_squeeze %dma_wait3A_81 : memref<1x40x128xf32, #tpu.memory_space<hbm>> -> memref<40x128xf32, #tpu.memory_space<hbm>>
    tpu.wait_dma2 semaphore(%arg26 : memref<!tpu.dma_semaphore, #tpu.memory_space<semaphore_mem>>) src(%dma_wait3A_82 : memref<40x128xf32, #tpu.memory_space<hbm>>) dst(%arg21 : memref<40x128xf32, #tpu.memory_space<vmem>>)
    %barrier3A_83 = arith.constant 0 : index
    tpu.barrier barrier_id(%barrier3A_83)
    %scan3A_84 = arith.constant 0 : i32
    %scan3A_85 = arith.constant 0 : i32
    %scan3A_86 = arith.constant 16 : i32
    %scan3A_87 = arith.addi %scan3A_85, %scan3A_86 : i32
    %scan3A_88 = arith.constant 1 : i32
    scf.for %scan3A_90 = %scan3A_85 to %scan3A_87 step %scan3A_88  : i32 {
      %mul3A_91 = arith.constant 16 : i32
      %mul3A_92 = arith.muli %scan3A_90, %mul3A_91 : i32
      %add3A_93 = arith.addi %arg1, %mul3A_92 : i32
      %lt3A = arith.constant 250 : i32
      %lt3A_94 = arith.cmpi slt, %add3A_93, %lt3A : i32
      %convert_element_type3A = arith.extui %lt3A_94 : i1 to i32
      %cond3A = arith.constant 0 : i32
      %cond3A_95 = arith.cmpi ne, %convert_element_type3A, %cond3A : i32
      scf.if %cond3A_95 {
        %mul3A_96 = arith.constant 40 : i32
        %mul3A_97 = arith.muli %add3A_93, %mul3A_96 : i32
        "tpu.region"() ({
          %run_scoped3A = tpu.sem_alloc : memref<!tpu.dma_semaphore, #tpu.memory_space<semaphore_mem>>
          %dma_start3A_100 = arith.constant 0 : i32
          %dma_start3A_101 = tpu.memref_slice %arg22[%mul3A_97, %dma_start3A_100] : memref<10000x128xf32, #tpu.memory_space<vmem_shared>> -> memref<40x128xf32, #tpu.memory_space<vmem_shared>>
          %dma_start3A_102 = arith.constant 0 : i32
          %dma_start3A_103 = tpu.memref_slice %arg22[%mul3A_97, %dma_start3A_102] : memref<10000x128xf32, #tpu.memory_space<vmem_shared>> -> memref<40x128xf32, #tpu.memory_space<vmem_shared>>
          tpu.enqueue_dma source(%dma_start3A_103 : memref<40x128xf32, #tpu.memory_space<vmem_shared>>) target(%arg17 : memref<40x128xf32, #tpu.memory_space<vmem>>) target_semaphore(%run_scoped3A : memref<!tpu.dma_semaphore, #tpu.memory_space<semaphore_mem>>)
          %dma_wait3A_104 = arith.constant 0 : i32
          %dma_wait3A_105 = tpu.memref_slice %arg22[%mul3A_97, %dma_wait3A_104] : memref<10000x128xf32, #tpu.memory_space<vmem_shared>> -> memref<40x128xf32, #tpu.memory_space<vmem_shared>>
          %dma_wait3A_106 = arith.constant 0 : i32
          %dma_wait3A_107 = tpu.memref_slice %arg22[%mul3A_97, %dma_wait3A_106] : memref<10000x128xf32, #tpu.memory_space<vmem_shared>> -> memref<40x128xf32, #tpu.memory_space<vmem_shared>>
          tpu.wait_dma2 semaphore(%run_scoped3A : memref<!tpu.dma_semaphore, #tpu.memory_space<semaphore_mem>>) src(%dma_wait3A_107 : memref<40x128xf32, #tpu.memory_space<vmem_shared>>) dst(%arg17 : memref<40x128xf32, #tpu.memory_space<vmem>>)
          tpu.yield
        }) : () -> ()
        %mul3A_98 = arith.constant 40 : i32
        %mul3A_99 = arith.muli %add3A_93, %mul3A_98 : i32
        "tpu.region"() ({
          %run_scoped3A = tpu.sem_alloc : memref<!tpu.dma_semaphore, #tpu.memory_space<semaphore_mem>>
          %dma_start3A_100 = arith.constant 0 : i32
          %dma_start3A_101 = tpu.memref_slice %arg7[%arg0, %mul3A_99, %dma_start3A_100] : memref<2x10000x128xf32, #tpu.memory_space<hbm>> -> memref<1x40x128xf32, #tpu.memory_space<hbm>>
          %dma_start3A_102 = tpu.memref_squeeze %dma_start3A_101 : memref<1x40x128xf32, #tpu.memory_space<hbm>> -> memref<40x128xf32, #tpu.memory_space<hbm>>
          %dma_start3A_103 = arith.constant 0 : i32
          %dma_start3A_104 = tpu.memref_slice %arg7[%arg0, %mul3A_99, %dma_start3A_103] : memref<2x10000x128xf32, #tpu.memory_space<hbm>> -> memref<1x40x128xf32, #tpu.memory_space<hbm>>
          %dma_start3A_105 = tpu.memref_squeeze %dma_start3A_104 : memref<1x40x128xf32, #tpu.memory_space<hbm>> -> memref<40x128xf32, #tpu.memory_space<hbm>>
          tpu.enqueue_dma source(%arg17 : memref<40x128xf32, #tpu.memory_space<vmem>>) target(%dma_start3A_105 : memref<40x128xf32, #tpu.memory_space<hbm>>) target_semaphore(%run_scoped3A : memref<!tpu.dma_semaphore, #tpu.memory_space<semaphore_mem>>)
          %dma_wait3A_106 = arith.constant 0 : i32
          %dma_wait3A_107 = tpu.memref_slice %arg7[%arg0, %mul3A_99, %dma_wait3A_106] : memref<2x10000x128xf32, #tpu.memory_space<hbm>> -> memref<1x40x128xf32, #tpu.memory_space<hbm>>
          %dma_wait3A_108 = tpu.memref_squeeze %dma_wait3A_107 : memref<1x40x128xf32, #tpu.memory_space<hbm>> -> memref<40x128xf32, #tpu.memory_space<hbm>>
          %dma_wait3A_109 = arith.constant 0 : i32
          %dma_wait3A_110 = tpu.memref_slice %arg7[%arg0, %mul3A_99, %dma_wait3A_109] : memref<2x10000x128xf32, #tpu.memory_space<hbm>> -> memref<1x40x128xf32, #tpu.memory_space<hbm>>
          %dma_wait3A_111 = tpu.memref_squeeze %dma_wait3A_110 : memref<1x40x128xf32, #tpu.memory_space<hbm>> -> memref<40x128xf32, #tpu.memory_space<hbm>>
          tpu.wait_dma2 semaphore(%run_scoped3A : memref<!tpu.dma_semaphore, #tpu.memory_space<semaphore_mem>>) src(%arg17 : memref<40x128xf32, #tpu.memory_space<vmem>>) dst(%dma_wait3A_111 : memref<40x128xf32, #tpu.memory_space<hbm>>)
          tpu.yield
        }) : () -> ()
      } else {
      }
    }
    %scan3A_89 = arith.constant 16 : i32
    return
  }
}

module attributes {stable_mosaic.version = 14 : i64} {
  func.func @_proj_body(%arg0: i32, %arg1: memref<1000x128xf32, #tpu.memory_space<vmem>>, %arg2: memref<128x128xf32, #tpu.memory_space<vmem>>, %arg3: memref<128x128xf32, #tpu.memory_space<vmem>>, %arg4: memref<1000x128xf32, #tpu.memory_space<vmem>>, %arg5: memref<1000x128xf32, #tpu.memory_space<vmem>>) attributes {dimension_semantics = [#tpu.dimension_semantics<arbitrary>], iteration_bounds = array<i64: 10>, scalar_prefetch = 0 : i64, scratch_operands = 0 : i64, tpu.core_type = #tpu.core_type<tc>, window_params = [{transform_indices = @transform_0, window_bounds = array<i64: 1000, 128>}, {pipeline_mode = #tpu.pipeline_mode<synchronous>, transform_indices = @transform_1, window_bounds = array<i64: 128, 128>}, {pipeline_mode = #tpu.pipeline_mode<synchronous>, transform_indices = @transform_2, window_bounds = array<i64: 128, 128>}, {transform_indices = @transform_3, window_bounds = array<i64: 1000, 128>}, {transform_indices = @transform_4, window_bounds = array<i64: 1000, 128>}]} {
    %get3A = arith.constant 0 : index
    %get3A_0 = arith.constant 0 : index
    %get3A_1 = vector.load %arg1[%get3A, %get3A_0] : memref<1000x128xf32, #tpu.memory_space<vmem>>, vector<1000x128xf32>
    %get3A_2 = arith.constant 0 : index
    %get3A_3 = arith.constant 0 : index
    %get3A_4 = vector.load %arg2[%get3A_2, %get3A_3] : memref<128x128xf32, #tpu.memory_space<vmem>>, vector<128x128xf32>
    %dot_general3A = arith.constant dense<0.000000e+00> : vector<1000x128xf32>
    %dot_general3A_5 = tpu.matmul %get3A_1, %get3A_4, %dot_general3A {dimension_numbers = #tpu.dot_dimension_numbers<[1], [0], [0], [1], [0, 0, 1, 1], [], []>, transpose_lhs_hint = false} : vector<1000x128xf32>, vector<128x128xf32>, vector<1000x128xf32> -> vector<1000x128xf32>
    %swap3A = arith.constant 0 : index
    %swap3A_6 = arith.constant 0 : index
    %swap3A_7 = vector.load %arg4[%swap3A, %swap3A_6] : memref<1000x128xf32, #tpu.memory_space<vmem>>, vector<1000x128xf32>
    tpu.vector_store %arg4[%swap3A, %swap3A_6], %dot_general3A_5 {strides = array<i32>} : memref<1000x128xf32, #tpu.memory_space<vmem>>, vector<1000x128xf32>,
    %get3A_8 = arith.constant 0 : index
    %get3A_9 = arith.constant 0 : index
    %get3A_10 = vector.load %arg3[%get3A_8, %get3A_9] : memref<128x128xf32, #tpu.memory_space<vmem>>, vector<128x128xf32>
    %dot_general3A_11 = arith.constant dense<0.000000e+00> : vector<1000x128xf32>
    %dot_general3A_12 = tpu.matmul %get3A_1, %get3A_10, %dot_general3A_11 {dimension_numbers = #tpu.dot_dimension_numbers<[1], [0], [0], [1], [0, 0, 1, 1], [], []>, transpose_lhs_hint = false} : vector<1000x128xf32>, vector<128x128xf32>, vector<1000x128xf32> -> vector<1000x128xf32>
    %swap3A_13 = arith.constant 0 : index
    %swap3A_14 = arith.constant 0 : index
    %swap3A_15 = vector.load %arg5[%swap3A_13, %swap3A_14] : memref<1000x128xf32, #tpu.memory_space<vmem>>, vector<1000x128xf32>
    tpu.vector_store %arg5[%swap3A_13, %swap3A_14], %dot_general3A_12 {strides = array<i32>} : memref<1000x128xf32, #tpu.memory_space<vmem>>, vector<1000x128xf32>,
    return
  }
  func.func @transform_0(%arg0: i32) -> (i32, i32) {
    %c0_i32 = arith.constant 0 : i32
    %c0_i32_0 = arith.constant 0 : i32
    return %arg0, %c0_i32 : i32, i32
  }
  func.func @transform_1(%arg0: i32) -> (i32, i32) {
    %c0_i32 = arith.constant 0 : i32
    %c0_i32_0 = arith.constant 0 : i32
    %c0_i32_1 = arith.constant 0 : i32
    return %c0_i32, %c0_i32_0 : i32, i32
  }
  func.func @transform_2(%arg0: i32) -> (i32, i32) {
    %c0_i32 = arith.constant 0 : i32
    %c0_i32_0 = arith.constant 0 : i32
    %c0_i32_1 = arith.constant 0 : i32
    return %c0_i32, %c0_i32_0 : i32, i32
  }
  func.func @transform_3(%arg0: i32) -> (i32, i32) {
    %c0_i32 = arith.constant 0 : i32
    %c0_i32_0 = arith.constant 0 : i32
    return %arg0, %c0_i32 : i32, i32
  }
  func.func @transform_4(%arg0: i32) -> (i32, i32) {
    %c0_i32 = arith.constant 0 : i32
    %c0_i32_0 = arith.constant 0 : i32
    return %arg0, %c0_i32 : i32, i32
  }
}

module attributes {stable_mosaic.version = 14 : i64} {
  func.func @_edgec_body(%arg0: i32, %arg1: memref<2000x16xf32, #tpu.memory_space<vmem>>, %arg2: memref<16x128xf32, #tpu.memory_space<vmem>>, %arg3: memref<1x128xf32, #tpu.memory_space<vmem>>, %arg4: memref<2000x128xbf16, #tpu.memory_space<vmem>>) attributes {dimension_semantics = [#tpu.dimension_semantics<arbitrary>], iteration_bounds = array<i64: 160>, scalar_prefetch = 0 : i64, scratch_operands = 0 : i64, tpu.core_type = #tpu.core_type<tc>, window_params = [{transform_indices = @transform_0, window_bounds = array<i64: 2000, 16>}, {pipeline_mode = #tpu.pipeline_mode<synchronous>, transform_indices = @transform_1, window_bounds = array<i64: 16, 128>}, {pipeline_mode = #tpu.pipeline_mode<synchronous>, transform_indices = @transform_2, window_bounds = array<i64: 1, 128>}, {transform_indices = @transform_3, window_bounds = array<i64: 2000, 128>}]} {
    %get3A = arith.constant 0 : index
    %get3A_0 = arith.constant 0 : index
    %get3A_1 = vector.load %arg1[%get3A, %get3A_0] : memref<2000x16xf32, #tpu.memory_space<vmem>>, vector<2000x16xf32>
    %get3A_2 = arith.constant 0 : index
    %get3A_3 = arith.constant 0 : index
    %get3A_4 = vector.load %arg2[%get3A_2, %get3A_3] : memref<16x128xf32, #tpu.memory_space<vmem>>, vector<16x128xf32>
    %dot_general3A = arith.constant dense<0.000000e+00> : vector<2000x128xf32>
    %dot_general3A_5 = tpu.matmul %get3A_1, %get3A_4, %dot_general3A {dimension_numbers = #tpu.dot_dimension_numbers<[1], [0], [0], [1], [0, 0, 1, 1], [], []>, transpose_lhs_hint = false} : vector<2000x16xf32>, vector<16x128xf32>, vector<2000x128xf32> -> vector<2000x128xf32>
    %get3A_6 = arith.constant 0 : index
    %get3A_7 = arith.constant 0 : index
    %get3A_8 = vector.load %arg3[%get3A_6, %get3A_7] : memref<1x128xf32, #tpu.memory_space<vmem>>, vector<1x128xf32>
    %add3A = vector.broadcast %get3A_8 : vector<1x128xf32> to vector<2000x128xf32>
    %add3A_9 = arith.addf %dot_general3A_5, %add3A : vector<2000x128xf32>
    %convert_element_type3A = arith.truncf %add3A_9 : vector<2000x128xf32> to vector<2000x128xbf16>
    %swap3A = arith.constant 0 : index
    %swap3A_10 = arith.constant 0 : index
    %swap3A_11 = vector.load %arg4[%swap3A, %swap3A_10] : memref<2000x128xbf16, #tpu.memory_space<vmem>>, vector<2000x128xbf16>
    tpu.vector_store %arg4[%swap3A, %swap3A_10], %convert_element_type3A {strides = array<i32>} : memref<2000x128xbf16, #tpu.memory_space<vmem>>, vector<2000x128xbf16>,
    return
  }
  func.func @transform_0(%arg0: i32) -> (i32, i32) {
    %c0_i32 = arith.constant 0 : i32
    %c0_i32_0 = arith.constant 0 : i32
    return %arg0, %c0_i32 : i32, i32
  }
  func.func @transform_1(%arg0: i32) -> (i32, i32) {
    %c0_i32 = arith.constant 0 : i32
    %c0_i32_0 = arith.constant 0 : i32
    %c0_i32_1 = arith.constant 0 : i32
    return %c0_i32, %c0_i32_0 : i32, i32
  }
  func.func @transform_2(%arg0: i32) -> (i32, i32) {
    %c0_i32 = arith.constant 0 : i32
    %c0_i32_0 = arith.constant 0 : i32
    %c0_i32_1 = arith.constant 0 : i32
    return %c0_i32, %c0_i32_0 : i32, i32
  }
  func.func @transform_3(%arg0: i32) -> (i32, i32) {
    %c0_i32 = arith.constant 0 : i32
    %c0_i32_0 = arith.constant 0 : i32
    return %arg0, %c0_i32 : i32, i32
  }
}

module attributes {stable_mosaic.version = 14 : i64} {
  func.func @_upd_body(%arg0: i32, %arg1: memref<1000x128xf32, #tpu.memory_space<vmem>>, %arg2: memref<1000x128xf32, #tpu.memory_space<vmem>>, %arg3: memref<1000x128xf32, #tpu.memory_space<vmem>>, %arg4: memref<128x128xf32, #tpu.memory_space<vmem>>, %arg5: memref<128x128xf32, #tpu.memory_space<vmem>>, %arg6: memref<128x128xf32, #tpu.memory_space<vmem>>, %arg7: memref<1x128xf32, #tpu.memory_space<vmem>>, %arg8: memref<128x128xf32, #tpu.memory_space<vmem>>, %arg9: memref<1x128xf32, #tpu.memory_space<vmem>>, %arg10: memref<1000x128xf32, #tpu.memory_space<vmem>>) attributes {dimension_semantics = [#tpu.dimension_semantics<arbitrary>], iteration_bounds = array<i64: 10>, scalar_prefetch = 0 : i64, scratch_operands = 0 : i64, tpu.core_type = #tpu.core_type<tc>, window_params = [{transform_indices = @transform_0, window_bounds = array<i64: 1000, 128>}, {transform_indices = @transform_1, window_bounds = array<i64: 1000, 128>}, {transform_indices = @transform_2, window_bounds = array<i64: 1000, 128>}, {pipeline_mode = #tpu.pipeline_mode<synchronous>, transform_indices = @transform_3, window_bounds = array<i64: 128, 128>}, {pipeline_mode = #tpu.pipeline_mode<synchronous>, transform_indices = @transform_4, window_bounds = array<i64: 128, 128>}, {pipeline_mode = #tpu.pipeline_mode<synchronous>, transform_indices = @transform_5, window_bounds = array<i64: 128, 128>}, {pipeline_mode = #tpu.pipeline_mode<synchronous>, transform_indices = @transform_6, window_bounds = array<i64: 1, 128>}, {pipeline_mode = #tpu.pipeline_mode<synchronous>, transform_indices = @transform_7, window_bounds = array<i64: 128, 128>}, {pipeline_mode = #tpu.pipeline_mode<synchronous>, transform_indices = @transform_8, window_bounds = array<i64: 1, 128>}, {transform_indices = @transform_9, window_bounds = array<i64: 1000, 128>}]} {
    %get3A = arith.constant 0 : index
    %get3A_0 = arith.constant 0 : index
    %get3A_1 = vector.load %arg2[%get3A, %get3A_0] : memref<1000x128xf32, #tpu.memory_space<vmem>>, vector<1000x128xf32>
    %get3A_2 = arith.constant 0 : index
    %get3A_3 = arith.constant 0 : index
    %get3A_4 = vector.load %arg3[%get3A_2, %get3A_3] : memref<1000x128xf32, #tpu.memory_space<vmem>>, vector<1000x128xf32>
    %add3A = arith.addf %get3A_1, %get3A_4 : vector<1000x128xf32>
    %get3A_5 = arith.constant 0 : index
    %get3A_6 = arith.constant 0 : index
    %get3A_7 = vector.load %arg4[%get3A_5, %get3A_6] : memref<128x128xf32, #tpu.memory_space<vmem>>, vector<128x128xf32>
    %dot_general3A = arith.constant dense<0.000000e+00> : vector<1000x128xf32>
    %dot_general3A_8 = tpu.matmul %add3A, %get3A_7, %dot_general3A {dimension_numbers = #tpu.dot_dimension_numbers<[1], [0], [0], [1], [0, 0, 1, 1], [], []>, transpose_lhs_hint = false} : vector<1000x128xf32>, vector<128x128xf32>, vector<1000x128xf32> -> vector<1000x128xf32>
    %get3A_9 = arith.constant 0 : index
    %get3A_10 = arith.constant 0 : index
    %get3A_11 = vector.load %arg1[%get3A_9, %get3A_10] : memref<1000x128xf32, #tpu.memory_space<vmem>>, vector<1000x128xf32>
    %get3A_12 = arith.constant 0 : index
    %get3A_13 = arith.constant 0 : index
    %get3A_14 = vector.load %arg5[%get3A_12, %get3A_13] : memref<128x128xf32, #tpu.memory_space<vmem>>, vector<128x128xf32>
    %dot_general3A_15 = arith.constant dense<0.000000e+00> : vector<1000x128xf32>
    %dot_general3A_16 = tpu.matmul %get3A_11, %get3A_14, %dot_general3A_15 {dimension_numbers = #tpu.dot_dimension_numbers<[1], [0], [0], [1], [0, 0, 1, 1], [], []>, transpose_lhs_hint = false} : vector<1000x128xf32>, vector<128x128xf32>, vector<1000x128xf32> -> vector<1000x128xf32>
    %get3A_17 = arith.constant 0 : index
    %get3A_18 = arith.constant 0 : index
    %get3A_19 = vector.load %arg6[%get3A_17, %get3A_18] : memref<128x128xf32, #tpu.memory_space<vmem>>, vector<128x128xf32>
    %dot_general3A_20 = arith.constant dense<0.000000e+00> : vector<1000x128xf32>
    %dot_general3A_21 = tpu.matmul %dot_general3A_8, %get3A_19, %dot_general3A_20 {dimension_numbers = #tpu.dot_dimension_numbers<[1], [0], [0], [1], [0, 0, 1, 1], [], []>, transpose_lhs_hint = false} : vector<1000x128xf32>, vector<128x128xf32>, vector<1000x128xf32> -> vector<1000x128xf32>
    %add3A_22 = arith.addf %dot_general3A_16, %dot_general3A_21 : vector<1000x128xf32>
    %get3A_23 = arith.constant 0 : index
    %get3A_24 = arith.constant 0 : index
    %get3A_25 = vector.load %arg7[%get3A_23, %get3A_24] : memref<1x128xf32, #tpu.memory_space<vmem>>, vector<1x128xf32>
    %add3A_26 = vector.broadcast %get3A_25 : vector<1x128xf32> to vector<1000x128xf32>
    %add3A_27 = arith.addf %add3A_22, %add3A_26 : vector<1000x128xf32>
    %max3A = arith.constant 0.000000e+00 : f32
    %max3A_28 = vector.broadcast %max3A : f32 to vector<1000x128xf32>
    %max3A_29 = arith.maximumf %add3A_27, %max3A_28 : vector<1000x128xf32>
    %get3A_30 = arith.constant 0 : index
    %get3A_31 = arith.constant 0 : index
    %get3A_32 = vector.load %arg8[%get3A_30, %get3A_31] : memref<128x128xf32, #tpu.memory_space<vmem>>, vector<128x128xf32>
    %dot_general3A_33 = arith.constant dense<0.000000e+00> : vector<1000x128xf32>
    %dot_general3A_34 = tpu.matmul %max3A_29, %get3A_32, %dot_general3A_33 {dimension_numbers = #tpu.dot_dimension_numbers<[1], [0], [0], [1], [0, 0, 1, 1], [], []>, transpose_lhs_hint = false} : vector<1000x128xf32>, vector<128x128xf32>, vector<1000x128xf32> -> vector<1000x128xf32>
    %get3A_35 = arith.constant 0 : index
    %get3A_36 = arith.constant 0 : index
    %get3A_37 = vector.load %arg9[%get3A_35, %get3A_36] : memref<1x128xf32, #tpu.memory_space<vmem>>, vector<1x128xf32>
    %add3A_38 = vector.broadcast %get3A_37 : vector<1x128xf32> to vector<1000x128xf32>
    %add3A_39 = arith.addf %dot_general3A_34, %add3A_38 : vector<1000x128xf32>
    %swap3A = arith.constant 0 : index
    %swap3A_40 = arith.constant 0 : index
    %swap3A_41 = vector.load %arg10[%swap3A, %swap3A_40] : memref<1000x128xf32, #tpu.memory_space<vmem>>, vector<1000x128xf32>
    tpu.vector_store %arg10[%swap3A, %swap3A_40], %add3A_39 {strides = array<i32>} : memref<1000x128xf32, #tpu.memory_space<vmem>>, vector<1000x128xf32>,
    return
  }
  func.func @transform_0(%arg0: i32) -> (i32, i32) {
    %c0_i32 = arith.constant 0 : i32
    %c0_i32_0 = arith.constant 0 : i32
    return %arg0, %c0_i32 : i32, i32
  }
  func.func @transform_1(%arg0: i32) -> (i32, i32) {
    %c0_i32 = arith.constant 0 : i32
    %c0_i32_0 = arith.constant 0 : i32
    return %arg0, %c0_i32 : i32, i32
  }
  func.func @transform_2(%arg0: i32) -> (i32, i32) {
    %c0_i32 = arith.constant 0 : i32
    %c0_i32_0 = arith.constant 0 : i32
    return %arg0, %c0_i32 : i32, i32
  }
  func.func @transform_3(%arg0: i32) -> (i32, i32) {
    %c0_i32 = arith.constant 0 : i32
    %c0_i32_0 = arith.constant 0 : i32
    %c0_i32_1 = arith.constant 0 : i32
    return %c0_i32, %c0_i32_0 : i32, i32
  }
  func.func @transform_4(%arg0: i32) -> (i32, i32) {
    %c0_i32 = arith.constant 0 : i32
    %c0_i32_0 = arith.constant 0 : i32
    %c0_i32_1 = arith.constant 0 : i32
    return %c0_i32, %c0_i32_0 : i32, i32
  }
  func.func @transform_5(%arg0: i32) -> (i32, i32) {
    %c0_i32 = arith.constant 0 : i32
    %c0_i32_0 = arith.constant 0 : i32
    %c0_i32_1 = arith.constant 0 : i32
    return %c0_i32, %c0_i32_0 : i32, i32
  }
  func.func @transform_6(%arg0: i32) -> (i32, i32) {
    %c0_i32 = arith.constant 0 : i32
    %c0_i32_0 = arith.constant 0 : i32
    %c0_i32_1 = arith.constant 0 : i32
    return %c0_i32, %c0_i32_0 : i32, i32
  }
  func.func @transform_7(%arg0: i32) -> (i32, i32) {
    %c0_i32 = arith.constant 0 : i32
    %c0_i32_0 = arith.constant 0 : i32
    %c0_i32_1 = arith.constant 0 : i32
    return %c0_i32, %c0_i32_0 : i32, i32
  }
  func.func @transform_8(%arg0: i32) -> (i32, i32) {
    %c0_i32 = arith.constant 0 : i32
    %c0_i32_0 = arith.constant 0 : i32
    %c0_i32_1 = arith.constant 0 : i32
    return %c0_i32, %c0_i32_0 : i32, i32
  }
  func.func @transform_9(%arg0: i32) -> (i32, i32) {
    %c0_i32 = arith.constant 0 : i32
    %c0_i32_0 = arith.constant 0 : i32
    return %arg0, %c0_i32 : i32, i32
  }
}

</mosaic_0001>

<sc_bundles>
// kernel: kernel.6.cloned.1.call-start
scs
__scs_entry_jumppad:
0x0: {  	(pc) =	sbr.rel $0x88, $3  }
0x1: {  	(tag) =	ssettag $0x0;
	lr =	simm.s32 $0x1  }
0x2: {  	[smem:$0x3F97] =	sst lr;
	_ =	strace $0xD0000000  }
0x3: {  	_ = 	snop  }
0x4: {  	_ = 	snop  }
0x5: {  	_ = 	snop  }
0x6: {  	_ = 	snop  }
0x7: {  	_ = 	snop  }
__scs_overlays_trampoline_lowered:
0x8: {  	[smem:$0x3FA6] =	sst s0  }
0x9: {  	[smem:$0x3FA7] =	sst s1  }
0xa: {  	[smem:$0x3FA8] =	sst s2  }
0xb: {  	[smem:$0x3FA9] =	sst s3  }
0xc: {  	[smem:$0x3FAA] =	sst s4  }
0xd: {  	[smem:$0x3FAB] =	sst s5  }
0xe: {  	[smem:$0x3FAC] =	sst s6  }
0xf: {  	[smem:$0x3FAD] =	sst s7  }
0x10: {  	[smem:$0x3FAE] =	sst s8  }
0x11: {  	[smem:$0x3FAF] =	sst s9;
	s0 =	simm.s32 @!p0 $0x0  }
0x12: {  	s1 =	sld [smem:$0x3F95];
	s0 =	simm.s32 @p0 $0x1  }
0x13: {  	[smem:$0x3FB0] =	sst s0;
	s0 =	simm.s32 @!p1 $0x0  }
0x14: {  	s2 =	sld [smem:$0x3F94];
	s0 =	simm.s32 @p1 $0x1  }
0x15: {  	[smem:$0x3FB1] =	sst s0;
	s0 =	simm.s32 @!p2 $0x0  }
0x16: {  	s3 =	sld [smem:$0x3FDB];
	s0 =	simm.s32 @p2 $0x1  }
0x17: {  	s4 =	simm.s32 $0x1BF5;
	[smem:$0x3FB3] =	sst s0  }
0x18: {  	s0 =	sld [smem:$0x3F96];
	_ =	swait.ge [sflag:s4], $0x0  }
0x19: {  	s7 =	sld [smem:$0x3F97]  }
0x1a: {  	s8 =	sadd.s32 $0xFFFFE003, lr  }
0x1b: {  	s9 =	sadd.s32 $0xFFFFFEF7, lr;
	s5 =	simm.s32 $0xFFFFFFFF;
	p2 =	slt.u32 s8, $0xFFFFF086  }
0x1c: {  	p1 =	slt.u32 s9, $0xF7A;
	s5 =	simm.s32 @!p2 $0x0  }
0x1d: {  	s5 =	simm.s32 @p1 $0x1;
	p0 =	seq.s32 s7, s2  }
0x1e: {  	s7 =	smul.u32 @!p0 $0xF7A, s2;
	p2 =	seq.s32 @!p0 s5, $0x0  }
0x1f: {  	s9 =	smul.u32 $0xF7A, s1;
	s8 =	simm.s32 @!p0 $0x1BF5;
	p2 =	por !p2, p0  }
0x20: {  	[sflag:s8] =	ssyncset.s32 @!p0 $0xFFFFF086;
	s6 =	sadd.s32 @!p0 s3, s7;
	s7 =	simm.s32 @!p0 $0x108  }
0x21: {  	s3 =	sadd.s32 s3, s9;
	s6 =	sadd.s32 @!p0 $0x88, s6;
	s7 =	simm.s32 @p2 $0x1082  }
0x22: {  	[simem:s7], [sflag:s8] =	dma.local @!p0 [hbm:s6], $0xF7A  }
0x23: {  	s9 =	sor.u32 $0xD0000000, s2;
	s6 =	simm.s32 $0x108;
	_ =	swait.ge @!p0 [sflag:s8], $0x0  }
0x24: {  	s3 =	sadd.s32 $0x88, s3;
	s6 =	simm.s32 @!p1 $0x1082;
	[sflag:s4] =	ssyncset.s32 $0xFFFFF086  }
0x25: {  	[simem:s6], [sflag:s4] =	dma.local [hbm:s3], $0xF7A  }
0x26: {  	[smem:$0x3F97] =	sst s1;
	(tag) =	ssettag s2;
	_ =	strace s9  }
0x27: {  	s1 =	sld [smem:$0x3FA7]  }
0x28: {  	s2 =	sld [smem:$0x3FA8]  }
0x29: {  	s4 =	sld [smem:$0x3FAA]  }
0x2a: {  	p0 =	seq.s32 s5, $0x0;
	s5 =	sld [smem:$0x3FAB]  }
0x2b: {  	s6 =	sld [smem:$0x3FAC]  }
0x2c: {  	s7 =	sld [smem:$0x3FAD]  }
0x2d: {  	s3 =	simm.s32 $0x108;
	s8 =	sld [smem:$0x3FAE]  }
0x2e: {  	s3 =	simm.s32 @!p0 $0x1082;
	s9 =	sld [smem:$0x3FAF]  }
0x2f: {  	lr =	sadd.s32 s0, s3;
	s0 =	sld [smem:$0x3FA6]  }
0x30: {  	s3 =	sld [smem:$0x3FA9]  }
0x31: {  	[smem:$0x3FB2] =	sst s10  }
0x32: {  	s10 =	sld [smem:$0x3FB0];
	_ =	sdelay $0x3  }
0x33: {  	p0 =	seq.s32 s10, $0x1;
	s10 =	sld [smem:$0x3FB2];
	_ =	sdelay $0x3  }
0x34: {  	[smem:$0x3FB2] =	sst s10  }
0x35: {  	s10 =	sld [smem:$0x3FB1];
	_ =	sdelay $0x3  }
0x36: {  	p1 =	seq.s32 s10, $0x1;
	s10 =	sld [smem:$0x3FB2];
	_ =	sdelay $0x3  }
0x37: {  	[smem:$0x3FB2] =	sst s10  }
0x38: {  	s10 =	sld [smem:$0x3FB3]  }
0x39: {  	_ = 	snop;
	(pc) =	sbr.ind lr, $3  }
0x3a: {  	_ = 	snop  }
0x3b: {  	_ = 	snop  }
0x3c: {  	p2 =	seq.s32 s10, $0x1;
	s10 =	sld [smem:$0x3FB2]  }
0x3d: {  	_ =	shalt  }
0x3e: {  	_ =	shalt  }
0x3f: {  	_ =	shalt  }
0x40: {  	_ =	shalt  }
0x41: {  	_ =	shalt  }
0x42: {  	_ =	shalt  }
0x43: {  	_ =	shalt  }
0x44: {  	_ =	shalt  }
0x45: {  	_ =	shalt  }
0x46: {  	_ =	shalt  }
0x47: {  	_ =	shalt  }
0x48: {  	_ =	shalt  }
0x49: {  	_ =	shalt  }
0x4a: {  	_ =	shalt  }
0x4b: {  	_ =	shalt  }
0x4c: {  	_ =	shalt  }
0x4d: {  	_ =	shalt  }
0x4e: {  	_ =	shalt  }
0x4f: {  	_ =	shalt  }
0x50: {  	_ =	shalt  }
0x51: {  	_ =	shalt  }
0x52: {  	_ =	shalt  }
0x53: {  	_ =	shalt  }
0x54: {  	_ =	shalt  }
0x55: {  	_ =	shalt  }
0x56: {  	_ =	shalt  }
0x57: {  	_ =	shalt  }
0x58: {  	_ =	shalt  }
0x59: {  	_ =	shalt  }
0x5a: {  	_ =	shalt  }
0x5b: {  	_ =	shalt  }
0x5c: {  	_ =	shalt  }
0x5d: {  	_ =	shalt  }
0x5e: {  	_ =	shalt  }
0x5f: {  	_ =	shalt  }
0x60: {  	_ =	shalt  }
0x61: {  	_ =	shalt  }
0x62: {  	_ =	shalt  }
0x63: {  	_ =	shalt  }
0x64: {  	_ =	shalt  }
0x65: {  	_ =	shalt  }
0x66: {  	_ =	shalt  }
0x67: {  	_ =	shalt  }
0x68: {  	_ =	shalt  }
0x69: {  	_ =	shalt  }
0x6a: {  	_ =	shalt  }
0x6b: {  	_ =	shalt  }
0x6c: {  	_ =	shalt  }
0x6d: {  	_ =	shalt  }
0x6e: {  	_ =	shalt  }
0x6f: {  	_ =	shalt  }
0x70: {  	_ =	shalt  }
0x71: {  	_ =	shalt  }
0x72: {  	_ =	shalt  }
0x73: {  	_ =	shalt  }
0x74: {  	_ =	shalt  }
0x75: {  	_ =	shalt  }
0x76: {  	_ =	shalt  }
0x77: {  	_ =	shalt  }
0x78: {  	_ =	shalt  }
0x79: {  	_ =	shalt  }
0x7a: {  	_ =	shalt  }
0x7b: {  	_ =	shalt  }
0x7c: {  	_ =	shalt  }
0x7d: {  	_ =	shalt  }
0x7e: {  	_ =	shalt  }
0x7f: {  	_ =	shalt  }
0x80: {  	_ =	shalt  }
0x81: {  	_ =	shalt  }
0x82: {  	_ =	shalt  }
0x83: {  	_ =	shalt  }
0x84: {  	_ =	shalt  }
0x85: {  	_ =	shalt  }
0x86: {  	_ =	shalt  }
0x87: {  	_ =	shalt  }
.Lfunc_end0:
.L_simem_size_0:
called_computation_lowered:
.L_overlay_start_0:
0x88: {  	s2 =	sld [smem:$0x3FD9]  }
0x89: {  	s3 =	sld [smem:$0x3FFE];
	_ =	sdelay $0x1  }
0x8a: {  	s1 =	srdreg.scid  }
0x8b: {  	s0 =	sand.u32 $0x1, s1  }
0x8c: {  	s17 =	sshll.u32 s0, $0xA;
	s2 =	sadd.s32 s3, s2  }
0x8d: {  	s2 =	sadd.s32 s2, s17  }
0x8e: {  	[smem:$0x3FBE] =	sst s2  }
0x8f: {  	_ = 	snop  }
0x90: {  	s2 =	sld [smem:$0x3FD0];
	(tm) =	ssettm $0x1  }
0x91: {  	s18 =	sld [smem:$0x3FFB];
	_ =	sdelay $0x3  }
0x92: {  	_ =	strace s18  }
0x93: {  	s3 =	sld [smem:$0x3FFC];
	_ =	sdelay $0x3  }
0x94: {  	_ =	strace s3  }
0x95: {  	s3 =	sld [smem:$0x3FFD];
	_ =	sdelay $0x3  }
0x96: {  	_ =	strace s3  }
0x97: {  	_ =	strace $0x8FFFFFFF  }
0x98: {  	s19 =	sld [smem:$0x3FDB];
	_ =	sdelay $0x1  }
0x99: {  	s4 =	simm.s32 $_scs_section_size  }
0x9a: {  	s5 =	simm.s32 $_size__tile_overlayer_lowered;
	s6 =	simm.s32 $_tile_overlayer_lowered  }
0x9b: {  	s22 =	simm.s32 $0x1BFF;
	s21 =	sshll.u32 s6, $0x1;
	s3 =	sadd.s32 s4, s19  }
0x9c: {  	s7 =	simm.s32 $0x0;
	s20 =	sshll.u32 s5, $0x1;
	s5 =	sadd.s32 s21, s3  }
0x9d: {  	[timem:s7], [sflag:s22] =	dma.local [hbm:s5], s20  }
0x9e: {  	_ =	swait.ge [sflag:s22], s20  }
0x9f: {  	s4 =	ssub.s32 $0x0, s20;
	[sflag:s22] =	ssyncset.done $0x0  }
0xa0: {  	[sflag:s22] =	ssyncadd.s32 s4;
	_ =	sdelay $0x1  }
0xa1: {  	s23 =	simm.s32 $0x1B8B  }
0xa2: {  	_ =	swait.ge [sflag:s23], $0x1  }
0xa3: {  	[sflag:s23] =	ssyncset.done $0x0  }
0xa4: {  	s25 =	simm.s32 $0x1B8E;
	s24 =	sld [smem:$0x3FFE];
	[sflag:s23] =	ssyncadd.s32 $0xFFFFFFFF  }
0xa5: {  	s26 =	simm.s32 $execute0_lowered;
	[smem:$0x3FD2] =	sst s25  }
0xa6: {  	s5 =	sshll.u32 s26, $0x1;
	_ =	strace $0x80000046;
	[dreg:$0x1] =	wrdreg $0xFFFFFFFF  }
0xa7: {  	s28 =	simm.s32 $_size_execute0_lowered;
	s3 =	sadd.s32 s3, s5;
	[dreg:$0x0] =	wrdreg $0x0  }
0xa8: {  	s5 =	sshll.u32 s28, $0x1;
	[dreg:$0x2] =	wrdreg s3  }
0xa9: {  	[dreg:$0x3] =	wrdreg s5  }
0xaa: {  	[dreg:$0x4] =	wrdreg $0xC0  }
0xab: {  	_ =	task [dreg:s7], $0x5FFFF  }
0xac: {  	[dreg:$0x1] =	wrdreg $0xFFFFFFFF  }
0xad: {  	[dreg:$0x0] =	wrdreg $0x60  }
0xae: {  	[dreg:$0x2] =	wrdreg s2  }
0xaf: {  	[dreg:$0x3] =	wrdreg s24  }
0xb0: {  	[dreg:$0x4] =	wrdreg $0x8F000  }
0xb1: {  	[dreg:$0x5] =	wrdreg $0x9  }
0xb2: {  	_ =	task.clear_ibuf [dreg:s7], $0x6FFFF;
	_ =	strace $0x90000046  }
0xb3: {  	s29 =	simm.s32 $0x9;
	_ =	strace $0x80000048  }
0xb4: {  	_ =	swait.ge [sflag:s29], $0x1  }
0xb5: {  	[sflag:s29] =	ssyncadd.s32 $0xFFFFFFFF  }
0xb6: {  	_ =	strace $0x90000048  }
0xb7: {  	_ =	sfence  }
0xb8: {  	s30 =	sld [smem:$0x0];
	_ =	sdelay $0x2  }
0xb9: {  	s31 =	sshll.u32 s1, $0xD;
	s1 =	sshrl.u32 s1, $0x2  }
0xba: {  	s3 =	sand.u32 $0x4000, s31;
	s1 =	sadd.s32 s1, s30  }
0xbb: {  	s0 =	sor.u32 s3, s0;
	s1 =	sshll.u32 s1, $0x11  }
0xbc: {  	s0 =	sor.u32 s1, s0  }
0xbd: {  	s0 =	sadd.s32 $0x8F2B, s0  }
0xbe: {  	[sflag:s0] =	ssyncadd.remote.s32 $0x1  }
0xbf: {  	_ =	sfence.sel $0xFFFF  }
0xc0: {  	[dreg:$0x0] =	wrdreg $0xFFFFFFFF;
	(pc) =	sbr.abs _section_cstart, $3  }
0xc1: {  	[dreg:$0x1] =	wrdreg $0xFFFFFFFF  }
0xc2: {  	_ =	task.clear_ibuf [dreg:s7], $0x2FFFF;
	_ =	strace $0x9FFFFFFF  }
0xc3: {  	(tm) =	ssettm $0x7FFFFFFF  }
tec
execute0_lowered:
.L_overlay_start_1:
0x0: {  	(tag) =	ssettag $0x1  }
0x1: {  	s1 =	rddreg [dreg:$0x0]  }
0x2: {  	s0 =	rddreg [dreg:$0x1]  }
0x3: {  	s3 =	rddreg [dreg:$0x2];
	s4 =	simm.s32 $0x0;
	s5 =	srdreg.scid  }
0x4: {  	s2 =	stileid.u32;
	s28 =	simm.s32 $0x100;
	s29 =	simm.s32 $0x180  }
0x5: {  	s30 =	simm.s32 $0x4900;
	s31 =	simm.s32 $0x5D00;
	[smem:$0x7FF] =	sst s4  }
0x6: {  	s9 =	sand.u32 $0x1, s5;
	s6 =	sshll.u32 s2, $0x1;
	s5 =	sadd.s32 $0x4F7E00, s0  }
0x7: {  	s7 =	sadd.s32 $0x4EE000, s0;
	s8 =	sadd.s32 $0x4E4200, s0;
	s21 =	smul.u32 $0x1400, s2  }
0x8: {  	s14 =	sadd.s32 $0x2200, s0;
	s23 =	smul.u32 $0x5000, s2;
	_ =	strace $0x80000047  }
0x9: {  	s10 =	sor.u32 s9, s6;
	s11 =	ssub.s32 $0x2, s9;
	s9 =	smul.u32 $0x138800, s9  }
0xa: {  	s6 =	sadd.s32 $0x51F000, s0;
	[dreg:$0x4] =	wrdreg s14;
	s12 =	smul.u32 $0x2710, s10  }
0xb: {  	s13 =	sshrl.u32 s11, $0x1;
	s10 =	smul.u32 $0x13880, s10;
	s24 =	sshrl.u32 s23, $0x2  }
0xc: {  	s23 =	simm.s32 $0x28;
	s15 =	ssub.s32 s11, s13;
	s9 =	sadd.s32 s21, s9  }
0xd: {  	s25 =	sadd.s32 s24, s3;
	s24 =	simm.s32 $0x3500;
	s13 =	simm.s32 $0x4  }
0xe: {  	s16 =	sshrl.u32 s12, $0x3;
	s18 =	sadd.s32 $0x28, s12;
	s10 =	sadd.s32 s6, s10  }
0xf: {  	s9 =	sshrl.u32 s9, $0x3;
	s0 =	smax.u32 s15, $0x1;
	[dreg:$0xc] =	wrdreg s25  }
0x10: {  	s25 =	simm.s32 $0x7B00;
	s17 =	sadd.s32 s7, s16;
	s11 =	sadd.s32 s8, s16  }
0x11: {  	s19 =	sshrl.u32 s18, $0x3;
	[dreg:$0x7] =	wrdreg s10;
	s22 =	sshll.u32 s18, $0x3  }
0x12: {  	s16 =	sadd.s32 $0x50, s12;
	[dreg:$0xb] =	wrdreg s0;
	s26 =	sadd.s32 s9, s14  }
0x13: {  	s0 =	simm.s32 $0x7100;
	s10 =	simm.s32 $0x3;
	[dreg:$0x5] =	wrdreg s17  }
0x14: {  	s14 =	simm.s32 $0x280;
	s9 =	simm.s32 $0x0;
	[dreg:$0x6] =	wrdreg s11  }
0x15: {  	s20 =	sadd.s32 s7, s19;
	s11 =	sadd.s32 s8, s19;
	[dreg:$0xd] =	wrdreg s26  }
0x16: {  	s17 =	sadd.s32 $0x78, s12;
	s26 =	simm.s32 $0x1;
	[dreg:$0x8] =	wrdreg s20  }
0x17: {  	s12 =	simm.s32 $0x2;
	[dreg:$0x9] =	wrdreg s11;
	s11 =	sadd.s32 s6, s22  }
0x18: {  	v0 =	vimm.f32 $0.0e+00;
	s22 =	simm.s32 $0x6;
	[dreg:$0xa] =	wrdreg s11;
	s11 =	simm.s32 $0x200  }
.LBB2_1:
0x19: {  	[dreg:$0xe] =	wrdreg s9;
	s9 =	simm.s32 $0x0;
	s15 =	simm.s32 $0x200  }
.LBB2_2:
0x1a: {  	p0 =	sne.s32 s15, $0x4E00;
	[tilespmem:s9+$0x3570] =	vst v0  }
0x1b: {  	[tilespmem:s9+$0x3500] =	vst v0  }
0x1c: {  	[tilespmem:s9+$0x3510] =	vst v0  }
.Ltmp0:
0x1d: {  	[tilespmem:s9+$0x3520] =	vst v0;
	(pc) =	sbr.rel @p0 .LBB2_2-.Ltmp0, $4  }
0x1e: {  	[tilespmem:s9+$0x3530] =	vst v0  }
0x1f: {  	[tilespmem:s9+$0x3540] =	vst v0  }
0x20: {  	[tilespmem:s9+$0x3550] =	vst v0  }
0x21: {  	[tilespmem:s9+$0x3560] =	vst v0;
	s9 =	sshra.s32 s15, $0x2;
	s15 =	sadd.s32 $0x200, s15  }
0x22: {  	[tilespmem:s9+$0x3570] =	vst v0  }
0x23: {  	[tilespmem:s9+$0x3500] =	vst v0  }
0x24: {  	[tilespmem:s9+$0x3510] =	vst v0  }
0x25: {  	[tilespmem:s9+$0x3520] =	vst v0  }
0x26: {  	[tilespmem:s9+$0x3530] =	vst v0  }
0x27: {  	[tilespmem:s9+$0x3540] =	vst v0;
	s15 =	sadd.s32 $0x0, s2  }
0x28: {  	[tilespmem:s9+$0x3550] =	vst v0;
	p0 =	sgt.u32 s15, $0xF9  }
0x29: {  	[tilespmem:s9+$0x3560] =	vst v0;
	s4 =	rddreg [dreg:$0xc];
	s9 =	simm.s32 @!p0 $0x3500;
	s19 =	simm.s32 @!p0 $0x7  }
0x2a: {  	[spmem:s4] =	stream.linear.scatter @!p0 [tilespmem:s9], [sflag:$0x7], $0x1400, $0x38;
	[tilespmem:$0x1C780] =	vst v63  }
0x2b: {  	s18 =	simm.s32 $0x20;
	_ =	swait.ge @!p0 [sflag:s19], $0x1400  }
0x2c: {  	s15 =	simm.s32 $0x10;
	s9 =	sadd.s32 $0x14000, s4;
	[sflag:s19] =	ssyncset.done @!p0 $0x0  }
.LBB2_4:
0x2d: {  	s20 =	sadd.s32 s15, s2;
	s15 =	smov.u32 s18;
	s18 =	sadd.s32 $0x10, s18  }
0x2e: {  	[sflag:s19] =	ssyncadd.s32 @!p0 $0xFFFFEC00;
	p1 =	sne.s32 s18, $0x100  }
.Ltmp1:
0x2f: {  	p0 =	sgt.u32 s20, $0xF9;
	(pc) =	sbr.rel @p1 .LBB2_4-.Ltmp1, $4  }
0x30: {  	s20 =	simm.s32 @!p0 $0x3500;
	s19 =	simm.s32 @!p0 $0x7  }
0x31: {  	[spmem:s9] =	stream.linear.scatter @!p0 [tilespmem:s20], [sflag:$0x7], $0x1400, $0x38;
	[tilespmem:$0x1C780] =	vst v63  }
0x32: {  	_ =	swait.ge @!p0 [sflag:s19], $0x1400  }
0x33: {  	s9 =	sadd.s32 $0x14000, s9;
	[sflag:s19] =	ssyncset.done @!p0 $0x0  }
0x34: {  	s15 =	sadd.s32 s15, s2  }
0x35: {  	p1 =	sgt.u32 s15, $0xF9  }
0x36: {  	[sflag:s19] =	ssyncadd.s32 @!p0 $0xFFFFEC00;
	s15 =	simm.s32 @!p1 $0x3500;
	s18 =	simm.s32 @!p1 $0x7  }
0x37: {  	[spmem:s9] =	stream.linear.scatter @!p1 [tilespmem:s15], [sflag:$0x7], $0x1400, $0x38;
	[tilespmem:$0x1C780] =	vst v63  }
0x38: {  	_ =	swait.ge @!p1 [sflag:s18], $0x1400  }
0x39: {  	s9 =	simm.s32 $0x7;
	[sflag:s18] =	ssyncset.done @!p1 $0x0  }
0x3a: {  	s4 =	rddreg [dreg:$0x5];
	[sflag:s18] =	ssyncadd.s32 @!p1 $0xFFFFEC00;
	s18 =	simm.s32 $0x0  }
0x3b: {  	[tilespmem:s18], [sflag:$0x7] =	stream.linear.gather [hbm4b:s4+s18], $0x28, $0x38;
	[tilespmem:$0x1C780] =	vst v63  }
0x3c: {  	_ =	swait.ge [sflag:s9], $0x28  }
0x3d: {  	[sflag:s9] =	ssyncset.done $0x0  }
0x3e: {  	s20 =	simm.s32 $0x80;
	s19 =	rddreg [dreg:$0x6];
	[sflag:s9] =	ssyncadd.s32 $0xFFFFFFD8  }
0x3f: {  	[tilespmem:s20], [sflag:$0x7] =	stream.linear.gather [hbm4b:s19+s18], $0x28, $0x38;
	[tilespmem:$0x1C780] =	vst v63  }
0x40: {  	_ =	swait.ge [sflag:s9], $0x28  }
0x41: {  	[sflag:s9] =	ssyncset.done $0x0  }
0x42: {  	s21 =	simm.s32 $0x300;
	[sflag:s9] =	ssyncadd.s32 $0xFFFFFFD8  }
0x43: {  	[tilespmem:s21], [sflag:$0x1] =	stream.indirect.gather [hbm4b:s1+s23], $0x80, s18, s23, $0xb8;
	[tilespmem:$0x1C780] =	vst v63  }
0x44: {  	s19 =	simm.s32 $0x1700  }
0x45: {  	[tilespmem:s19], [sflag:$0x1] =	stream.indirect.gather [hbm4b:s5+s23], $0x80, s20, s23, $0xb8;
	[tilespmem:$0x1C780] =	vst v63  }
0x46: {  	s21 =	simm.s32 $0x2B00;
	s20 =	rddreg [dreg:$0x7]  }
0x47: {  	[tilespmem:s21], [sflag:$0x1] =	stream.linear.gather [hbm4b:s20+s18], $0xA00, $0x38;
	[tilespmem:$0x1C780] =	vst v63  }
0x48: {  	s15 =	rddreg [dreg:$0x8]  }
0x49: {  	[tilespmem:s28], [sflag:$0x7] =	stream.linear.gather [hbm4b:s15+s18], $0x28, $0x38;
	[tilespmem:$0x1C780] =	vst v63  }
0x4a: {  	_ =	swait.ge [sflag:s9], $0x28  }
0x4b: {  	[sflag:s9] =	ssyncset.done $0x0  }
0x4c: {  	s19 =	rddreg [dreg:$0x9];
	[sflag:s9] =	ssyncadd.s32 $0xFFFFFFD8  }
0x4d: {  	[tilespmem:s29], [sflag:$0x7] =	stream.linear.gather [hbm4b:s19+s18], $0x28, $0x38;
	[tilespmem:$0x1C780] =	vst v63  }
0x4e: {  	_ =	swait.ge [sflag:s9], $0x28  }
0x4f: {  	[sflag:s9] =	ssyncset.done $0x0  }
0x50: {  	[sflag:s9] =	ssyncadd.s32 $0xFFFFFFD8  }
0x51: {  	[tilespmem:s30], [sflag:$0x2] =	stream.indirect.gather [hbm4b:s1+s23], $0x80, s28, s23, $0xb8;
	[tilespmem:$0x1C780] =	vst v63  }
0x52: {  	_ = 	snop  }
0x53: {  	[tilespmem:s31], [sflag:$0x2] =	stream.indirect.gather [hbm4b:s5+s23], $0x80, s29, s23, $0xb8;
	[tilespmem:$0x1C780] =	vst v63  }
0x54: {  	s20 =	rddreg [dreg:$0xa]  }
0x55: {  	[tilespmem:s0], [sflag:$0x2] =	stream.linear.gather [hbm4b:s20+s18], $0xA00, $0x38;
	[tilespmem:$0x1C780] =	vst v63  }
0x56: {  	s21 =	rddreg [dreg:$0x4]  }
0x57: {  	[tilespmem:s24], [sflag:$0x3] =	stream.linear.gather [hbm4b:s21+s18], $0x1400, $0x38;
	[tilespmem:$0x1C780] =	vst v63  }
0x58: {  	_ = 	snop  }
0x59: {  	[tilespmem:s25], [sflag:$0x4] =	stream.linear.gather [hbm4b:s21+s18], $0x1400, $0x38;
	[tilespmem:$0x1C780] =	vst v63  }
0x5a: {  	[bflag:$0x0] =	sbarrier.arrive $0xFFFF  }
.LBB2_6:
0x5b: {  	_ =	swait.ge [sflag:s26], $0x1400  }
0x5c: {  	[sflag:s26] =	ssyncset.done $0x0  }
0x5d: {  	[sflag:s26] =	ssyncadd.s32 $0xFFFFEC00  }
0x5e: {  	_ =	swait.ge [sflag:s26], $0x1400  }
0x5f: {  	[sflag:s26] =	ssyncset.done $0x0  }
0x60: {  	[sflag:s26] =	ssyncadd.s32 $0xFFFFEC00  }
0x61: {  	_ =	swait.ge [sflag:s26], $0xA00  }
0x62: {  	[sflag:s26] =	ssyncset.done $0x0  }
0x63: {  	[sflag:s26] =	ssyncadd.s32 $0xFFFFF600  }
0x64: {  	_ =	swait.ge [sflag:s10], $0x1400  }
0x65: {  	[sflag:s10] =	ssyncset.done $0x0  }
0x66: {  	[sflag:s10] =	ssyncadd.s32 $0xFFFFEC00  }
0x67: {  	v1 =	vld [tilespmem:$0x80]  }
0x68: {  	v2 =	vld [tilespmem:$0x90]  }
0x69: {  	p0 =	seq.s32 s18, $0x7C;
	v3 =	vld [tilespmem:$0x98]  }
0x6a: {  	s9 =	smul.u32 @!p0 $0x50, s18;
	_ =	sdelay $0x1  }
0x6b: {  	s20 =	sadd.s32 @!p0 s9, s16;
	[tilespmem:$0x200] =	vst v1  }
0x6c: {  	s15 =	sshrl.u32 @!p0 s20, $0x3;
	[tilespmem:$0x210] =	vst v2  }
0x6d: {  	s21 =	simm.s32 @!p0 $0x0;
	s19 =	sadd.s32 @!p0 s7, s15;
	[tilespmem:$0x218] =	vst v3  }
0x6e: {  	[tilespmem:s21], [sflag:$0x5] =	stream.linear.gather @!p0 [hbm4b:s19+s21], $0x28, $0x38;
	[tilespmem:$0x1C780] =	vst v63  }
0x6f: {  	s15 =	sadd.s32 @!p0 s8, s15;
	s19 =	simm.s32 @!p0 $0x80  }
0x70: {  	[tilespmem:s19], [sflag:$0x5] =	stream.linear.gather @!p0 [hbm4b:s15+s21], $0x28, $0x38;
	[tilespmem:$0x1C780] =	vst v63  }
0x71: {  	s19 =	simm.s32 $0x0  }
0x72: {  	v1 =	vld [tilespmem:s19+$0x370]  }
0x73: {  	v2 =	vld [tilespmem:s19+$0x1770]  }
0x74: {  	v11 =	vld [tilespmem:s19+$0x2B30]  }
0x75: {  	v3 =	vld [tilespmem:s19+$0x300]  }
0x76: {  	v4 =	vld [tilespmem:s19+$0x1700]  }
0x77: {  	v5 =	vld [tilespmem:s19+$0x340]  }
0x78: {  	v8 =	vld [tilespmem:s19+$0x1740]  }
0x79: {  	v9 =	vld [tilespmem:s19+$0x1710]  }
0x7a: {  	v10 =	vld [tilespmem:s19+$0x350]  }
0x7b: {  	v14 =	vld [tilespmem:s19+$0x1750]  }
0x7c: {  	v15 =	vld [tilespmem:s19+$0x320];
	v1 =	vadd.f32 v2, v1  }
0x7d: {  	v16 =	vld [tilespmem:s19+$0x360];
	v6 =	vand.u32 $0xFFFF0000, v11  }
0x7e: {  	v17 =	vld [tilespmem:s19+$0x1760];
	v1 =	vadd.f32 v6, v1  }
0x7f: {  	v7 =	vld [tilespmem:s19+$0x1730]  }
0x80: {  	v2 =	vld [tilespmem:s19+$0x310];
	v1 =	vmax.f32 v1, $0.0e+00  }
0x81: {  	[tilespmem:s19+$0x3570] =	vst v1;
	v1 =	vld [tilespmem:s19+$0x1720]  }
0x82: {  	v6 =	vld [tilespmem:s19+$0x330]  }
0x83: {  	v13 =	vld [tilespmem:s19+$0x2B00]  }
0x84: {  	v12 =	vld [tilespmem:s19+$0x2B10];
	v4 =	vadd.f32 v4, v3;
	v8 =	vadd.f32 v8, v5  }
0x85: {  	s21 =	simm.s32 $0x80;
	v5 =	vadd.f32 v9, v2;
	v9 =	vadd.f32 v14, v10;
	v10 =	vld [tilespmem:s19+$0x2B20]  }
0x86: {  	s15 =	simm.s32 $0x400;
	v2 =	vadd.f32 v17, v16;
	v3 =	vadd.f32 v1, v15;
	v1 =	vshll.u32 v11, $0x10;
	v11 =	vld [tilespmem:s21+$0x370]  }
.LBB2_7:
0x87: {  	p1 =	sne.s32 s15, $0x4E00;
	v14 =	vld [tilespmem:s21+$0x1770];
	v6 =	vadd.f32 v7, v6  }
0x88: {  	v7 =	vld [tilespmem:s21+$0x2B30];
	v15 =	vshll.u32 v13, $0x10;
	v13 =	vand.u32 $0xFFFF0000, v13  }
0x89: {  	v16 =	vld [tilespmem:s21+$0x300];
	v4 =	vadd.f32 v15, v4;
	v15 =	vshll.u32 v12, $0x10;
	v12 =	vand.u32 $0xFFFF0000, v12  }
0x8a: {  	v8 =	vadd.f32 v13, v8;
	v17 =	vld [tilespmem:s21+$0x1700];
	v13 =	vshll.u32 v10, $0x10;
	v10 =	vand.u32 $0xFFFF0000, v10  }
0x8b: {  	v5 =	vadd.f32 v15, v5;
	v9 =	vadd.f32 v12, v9;
	v18 =	vld [tilespmem:s21+$0x340];
	v4 =	vmax.f32 v4, $0.0e+00  }
0x8c: {  	v3 =	vadd.f32 v13, v3;
	v12 =	vld [tilespmem:s21+$0x1740];
	v11 =	vadd.f32 v14, v11;
	[tilespmem:s19+$0x3500] =	vst v4;
	v4 =	vmax.f32 v8, $0.0e+00  }
0x8d: {  	v2 =	vadd.f32 v10, v2;
	v13 =	vld [tilespmem:s21+$0x310];
	v8 =	vshll.u32 v7, $0x10;
	v7 =	vand.u32 $0xFFFF0000, v7;
	[tilespmem:s19+$0x3540] =	vst v4  }
0x8e: {  	v6 =	vadd.f32 v1, v6;
	v5 =	vmax.f32 v5, $0.0e+00;
	v10 =	vld [tilespmem:s21+$0x1710];
	v7 =	vadd.f32 v7, v11;
	v1 =	vmovc v8  }
0x8f: {  	v3 =	vmax.f32 v3, $0.0e+00;
	v4 =	vadd.f32 v17, v16;
	v11 =	vld [tilespmem:s21+$0x350];
	[tilespmem:s19+$0x3510] =	vst v5;
	v5 =	vmax.f32 v9, $0.0e+00  }
0x90: {  	v6 =	vmax.f32 v6, $0.0e+00;
	v2 =	vmax.f32 v2, $0.0e+00;
	v9 =	vld [tilespmem:s21+$0x1750];
	v7 =	vmax.f32 v7, $0.0e+00;
	[tilespmem:s19+$0x3550] =	vst v5  }
0x91: {  	v8 =	vadd.f32 v12, v18;
	v12 =	vld [tilespmem:s21+$0x320];
	[tilespmem:s21+$0x3570] =	vst v7  }
0x92: {  	v14 =	vld [tilespmem:s21+$0x1720];
	[tilespmem:s19+$0x3520] =	vst v3  }
0x93: {  	v5 =	vadd.f32 v10, v13;
	v15 =	vld [tilespmem:s21+$0x360];
	[tilespmem:s19+$0x3560] =	vst v2  }
0x94: {  	v2 =	vld [tilespmem:s21+$0x1760];
	[tilespmem:s19+$0x3530] =	vst v6;
	s19 =	smov.u32 s21  }
0x95: {  	v9 =	vadd.f32 v9, v11;
	v6 =	vld [tilespmem:s19+$0x330]  }
.Ltmp2:
0x96: {  	v7 =	vld [tilespmem:s19+$0x1730];
	(pc) =	sbr.rel @p1 .LBB2_7-.Ltmp2, $4  }
0x97: {  	v13 =	vld [tilespmem:s19+$0x2B00];
	v3 =	vadd.f32 v14, v12  }
0x98: {  	v12 =	vld [tilespmem:s19+$0x2B10]  }
0x99: {  	s21 =	sshra.s32 s15, $0x2;
	v10 =	vld [tilespmem:s19+$0x2B20];
	v2 =	vadd.f32 v2, v15  }
0x9a: {  	s15 =	sadd.s32 $0x200, s15;
	v11 =	vld [tilespmem:s21+$0x370]  }
0x9b: {  	v14 =	vld [tilespmem:s21+$0x1770]  }
0x9c: {  	v15 =	vld [tilespmem:s21+$0x2B30];
	v16 =	vshll.u32 v13, $0x10  }
0x9d: {  	v17 =	vld [tilespmem:s21+$0x300];
	v4 =	vadd.f32 v16, v4  }
0x9e: {  	v60 =	vld [tilespmem:s21+$0x1700];
	v13 =	vand.u32 $0xFFFF0000, v13  }
0x9f: {  	v18 =	vld [tilespmem:s21+$0x340];
	v8 =	vadd.f32 v13, v8;
	v4 =	vmax.f32 v4, $0.0e+00  }
0xa0: {  	v13 =	vld [tilespmem:s21+$0x1740];
	[tilespmem:s19+$0x3500] =	vst v4;
	v4 =	vshll.u32 v12, $0x10  }
0xa1: {  	v8 =	vmax.f32 v8, $0.0e+00;
	v4 =	vadd.f32 v4, v5;
	v5 =	vand.u32 $0xFFFF0000, v12  }
0xa2: {  	v19 =	vld [tilespmem:s21+$0x310];
	[tilespmem:s19+$0x3540] =	vst v8;
	v5 =	vadd.f32 v5, v9;
	v9 =	vadd.f32 v14, v11  }
0xa3: {  	v12 =	vand.u32 $0xFFFF0000, v15;
	v8 =	vld [tilespmem:s21+$0x1710];
	v4 =	vmax.f32 v4, $0.0e+00  }
0xa4: {  	v11 =	vld [tilespmem:s21+$0x350];
	[tilespmem:s19+$0x3510] =	vst v4;
	v4 =	vadd.f32 v12, v9  }
0xa5: {  	v5 =	vmax.f32 v5, $0.0e+00  }
0xa6: {  	v12 =	vshll.u32 v10, $0x10;
	v9 =	vld [tilespmem:s21+$0x1750];
	[tilespmem:s19+$0x3550] =	vst v5;
	v4 =	vmax.f32 v4, $0.0e+00  }
0xa7: {  	v10 =	vand.u32 $0xFFFF0000, v10;
	v3 =	vadd.f32 v12, v3;
	[tilespmem:s21+$0x3570] =	vst v4;
	v4 =	vadd.f32 v7, v6  }
0xa8: {  	v2 =	vadd.f32 v10, v2  }
0xa9: {  	v5 =	vld [tilespmem:s21+$0x320];
	v3 =	vmax.f32 v3, $0.0e+00;
	v1 =	vadd.f32 v1, v4  }
0xaa: {  	v6 =	vld [tilespmem:s21+$0x1720];
	v2 =	vmax.f32 v2, $0.0e+00;
	[tilespmem:s19+$0x3520] =	vst v3  }
0xab: {  	v3 =	vld [tilespmem:s21+$0x360];
	[tilespmem:s19+$0x3560] =	vst v2;
	v1 =	vmax.f32 v1, $0.0e+00  }
0xac: {  	v2 =	vld [tilespmem:s21+$0x1760];
	[tilespmem:s19+$0x3530] =	vst v1  }
0xad: {  	v1 =	vld [tilespmem:s21+$0x330]  }
0xae: {  	v4 =	vld [tilespmem:s21+$0x2B00]  }
0xaf: {  	v7 =	vld [tilespmem:s21+$0x1730]  }
0xb0: {  	v10 =	vld [tilespmem:s21+$0x2B10]  }
0xb1: {  	v13 =	vadd.f32 v13, v18  }
0xb2: {  	v12 =	vadd.f32 v60, v17;
	v8 =	vadd.f32 v8, v19;
	v14 =	vld [tilespmem:s21+$0x2B20]  }
0xb3: {  	v9 =	vadd.f32 v9, v11;
	v5 =	vadd.f32 v6, v5;
	v6 =	vshll.u32 v4, $0x10  }
0xb4: {  	v2 =	vadd.f32 v2, v3;
	v3 =	vand.u32 $0xFFFF0000, v4;
	v4 =	vadd.f32 v6, v12  }
0xb5: {  	v1 =	vadd.f32 v7, v1;
	v6 =	vshll.u32 v10, $0x10;
	v3 =	vadd.f32 v3, v13  }
0xb6: {  	v7 =	vand.u32 $0xFFFF0000, v10;
	v6 =	vadd.f32 v6, v8;
	v4 =	vmax.f32 v4, $0.0e+00  }
0xb7: {  	v7 =	vadd.f32 v7, v9;
	v8 =	vshll.u32 v14, $0x10;
	v3 =	vmax.f32 v3, $0.0e+00;
	[tilespmem:s21+$0x3500] =	vst v4  }
0xb8: {  	v5 =	vadd.f32 v8, v5;
	v4 =	vand.u32 $0xFFFF0000, v14;
	[tilespmem:s21+$0x3540] =	vst v3;
	v3 =	vmax.f32 v6, $0.0e+00  }
0xb9: {  	v6 =	vshll.u32 v15, $0x10;
	v2 =	vadd.f32 v4, v2;
	[tilespmem:s21+$0x3510] =	vst v3;
	v3 =	vmax.f32 v7, $0.0e+00  }
0xba: {  	v1 =	vadd.f32 v6, v1;
	v4 =	vmax.f32 v5, $0.0e+00;
	[tilespmem:s21+$0x3550] =	vst v3  }
0xbb: {  	[tilespmem:s21+$0x3520] =	vst v4;
	v2 =	vmax.f32 v2, $0.0e+00  }
0xbc: {  	v1 =	vmax.f32 v1, $0.0e+00;
	[tilespmem:s21+$0x3560] =	vst v2  }
0xbd: {  	s15 =	simm.s32 @!p0 $0x5;
	[tilespmem:s21+$0x3530] =	vst v1  }
0xbe: {  	[spmem:s3] =	stream.indirect.scatter.add.f32 [tilespmem:s24], [sflag:$0x3], $0x80, s11, s23, $0xb8;
	[tilespmem:$0x1C780] =	vst v63  }
0xbf: {  	_ =	swait.ge @!p0 [sflag:s15], $0x28  }
0xc0: {  	[sflag:s15] =	ssyncset.done @!p0 $0x0  }
0xc1: {  	[sflag:s15] =	ssyncadd.s32 @!p0 $0xFFFFFFD8  }
0xc2: {  	_ =	swait.ge @!p0 [sflag:s15], $0x28  }
0xc3: {  	s19 =	simm.s32 @!p0 $0x0;
	[sflag:s15] =	ssyncset.done @!p0 $0x0  }
0xc4: {  	s21 =	simm.s32 @!p0 $0x300;
	[sflag:s15] =	ssyncadd.s32 @!p0 $0xFFFFFFD8;
	s15 =	simm.s32 @!p0 $0x28  }
0xc5: {  	[tilespmem:s21], [sflag:$0x1] =	stream.indirect.gather @!p0 [hbm4b:s1+s15], $0x80, s19, s15, $0xb8;
	[tilespmem:$0x1C780] =	vst v63  }
0xc6: {  	s4 =	simm.s32 @!p0 $0x1700;
	s21 =	simm.s32 @!p0 $0x80  }
0xc7: {  	[tilespmem:s4], [sflag:$0x1] =	stream.indirect.gather @!p0 [hbm4b:s5+s15], $0x80, s21, s15, $0xb8;
	[tilespmem:$0x1C780] =	vst v63  }
0xc8: {  	s4 =	sshll.u32 @!p0 s20, $0x3  }
0xc9: {  	s15 =	simm.s32 @!p0 $0x2B00;
	s4 =	sadd.s32 @!p0 s6, s4  }
0xca: {  	[tilespmem:s15], [sflag:$0x1] =	stream.linear.gather @!p0 [hbm4b:s4+s19], $0xA00, $0x38;
	[tilespmem:$0x1C780] =	vst v63  }
0xcb: {  	_ =	swait.ge [sflag:s12], $0x1400  }
0xcc: {  	[sflag:s12] =	ssyncset.done $0x0  }
0xcd: {  	[sflag:s12] =	ssyncadd.s32 $0xFFFFEC00  }
0xce: {  	_ =	swait.ge [sflag:s12], $0x1400  }
0xcf: {  	[sflag:s12] =	ssyncset.done $0x0  }
0xd0: {  	[sflag:s12] =	ssyncadd.s32 $0xFFFFEC00  }
0xd1: {  	_ =	swait.ge [sflag:s12], $0xA00  }
0xd2: {  	[sflag:s12] =	ssyncset.done $0x0  }
0xd3: {  	[sflag:s12] =	ssyncadd.s32 $0xFFFFF600  }
0xd4: {  	_ =	swait.ge [sflag:s13], $0x1400  }
0xd5: {  	[sflag:s13] =	ssyncset.done $0x0  }
0xd6: {  	[sflag:s13] =	ssyncadd.s32 $0xFFFFEC00  }
0xd7: {  	v1 =	vld [tilespmem:$0x180]  }
0xd8: {  	v2 =	vld [tilespmem:$0x190]  }
0xd9: {  	v3 =	vld [tilespmem:$0x198];
	_ =	sdelay $0x2  }
0xda: {  	s4 =	sadd.s32 @!p0 s9, s17;
	[tilespmem:$0x280] =	vst v1  }
0xdb: {  	s4 =	sshrl.u32 @!p0 s4, $0x3;
	[tilespmem:$0x290] =	vst v2  }
0xdc: {  	s15 =	simm.s32 @!p0 $0x100;
	s9 =	sadd.s32 @!p0 s7, s4;
	[tilespmem:$0x298] =	vst v3  }
0xdd: {  	[tilespmem:s15], [sflag:$0x6] =	stream.linear.gather @!p0 [hbm4b:s9+s19], $0x28, $0x38;
	[tilespmem:$0x1C780] =	vst v63  }
0xde: {  	s4 =	sadd.s32 @!p0 s8, s4;
	s9 =	simm.s32 @!p0 $0x180  }
0xdf: {  	[tilespmem:s9], [sflag:$0x6] =	stream.linear.gather @!p0 [hbm4b:s4+s19], $0x28, $0x38;
	[tilespmem:$0x1C780] =	vst v63  }
0xe0: {  	s9 =	simm.s32 $0x0  }
0xe1: {  	v1 =	vld [tilespmem:s9+$0x4970]  }
0xe2: {  	v2 =	vld [tilespmem:s9+$0x5D70]  }
0xe3: {  	v3 =	vld [tilespmem:s9+$0x7130]  }
0xe4: {  	v4 =	vld [tilespmem:s9+$0x4900]  }
0xe5: {  	v5 =	vld [tilespmem:s9+$0x5D00]  }
0xe6: {  	v8 =	vld [tilespmem:s9+$0x4940]  }
0xe7: {  	v9 =	vld [tilespmem:s9+$0x5D40]  }
0xe8: {  	v10 =	vld [tilespmem:s9+$0x5D10]  }
0xe9: {  	v11 =	vld [tilespmem:s9+$0x4950]  }
0xea: {  	v14 =	vld [tilespmem:s9+$0x5D50]  }
0xeb: {  	v15 =	vld [tilespmem:s9+$0x4920]  }
0xec: {  	v61 =	vld [tilespmem:s9+$0x5D20]  }
0xed: {  	v62 =	vld [tilespmem:s9+$0x4960]  }
0xee: {  	v63 =	vld [tilespmem:s9+$0x5D60]  }
0xef: {  	v1 =	vadd.f32 v2, v1;
	v2 =	vld [tilespmem:s9+$0x4910]  }
0xf0: {  	v7 =	vld [tilespmem:s9+$0x5D30];
	v6 =	vand.u32 $0xFFFF0000, v3  }
0xf1: {  	v1 =	vadd.f32 v6, v1;
	v6 =	vld [tilespmem:s9+$0x4930]  }
0xf2: {  	v13 =	vld [tilespmem:s9+$0x7100]  }
0xf3: {  	v12 =	vld [tilespmem:s9+$0x7110];
	v4 =	vadd.f32 v5, v4;
	v8 =	vadd.f32 v9, v8;
	v1 =	vmax.f32 v1, $0.0e+00  }
0xf4: {  	s19 =	simm.s32 $0x80;
	v9 =	vadd.f32 v14, v11;
	[tilespmem:s9+$0x7B70] =	vst v1;
	v5 =	vadd.f32 v10, v2;
	v10 =	vld [tilespmem:s9+$0x7120]  }
0xf5: {  	s15 =	simm.s32 $0x400;
	v1 =	vshll.u32 v3, $0x10;
	v3 =	vadd.f32 v61, v15;
	v2 =	vadd.f32 v63, v62;
	v11 =	vld [tilespmem:s19+$0x4970]  }
.LBB2_9:
0xf6: {  	p1 =	sne.s32 s15, $0x4E00;
	v14 =	vld [tilespmem:s19+$0x5D70];
	v6 =	vadd.f32 v7, v6  }
0xf7: {  	v7 =	vld [tilespmem:s19+$0x7130];
	v15 =	vshll.u32 v13, $0x10;
	v13 =	vand.u32 $0xFFFF0000, v13  }
0xf8: {  	v16 =	vld [tilespmem:s19+$0x4900];
	v4 =	vadd.f32 v15, v4;
	v15 =	vshll.u32 v12, $0x10;
	v12 =	vand.u32 $0xFFFF0000, v12  }
0xf9: {  	v8 =	vadd.f32 v13, v8;
	v17 =	vld [tilespmem:s19+$0x5D00];
	v13 =	vshll.u32 v10, $0x10;
	v10 =	vand.u32 $0xFFFF0000, v10  }
0xfa: {  	v5 =	vadd.f32 v15, v5;
	v9 =	vadd.f32 v12, v9;
	v18 =	vld [tilespmem:s19+$0x4940];
	v4 =	vmax.f32 v4, $0.0e+00  }
0xfb: {  	v3 =	vadd.f32 v13, v3;
	v12 =	vld [tilespmem:s19+$0x5D40];
	v11 =	vadd.f32 v14, v11;
	[tilespmem:s9+$0x7B00] =	vst v4;
	v4 =	vmax.f32 v8, $0.0e+00  }
0xfc: {  	v2 =	vadd.f32 v10, v2;
	v13 =	vld [tilespmem:s19+$0x4910];
	v8 =	vshll.u32 v7, $0x10;
	v7 =	vand.u32 $0xFFFF0000, v7;
	[tilespmem:s9+$0x7B40] =	vst v4  }
0xfd: {  	v6 =	vadd.f32 v1, v6;
	v5 =	vmax.f32 v5, $0.0e+00;
	v10 =	vld [tilespmem:s19+$0x5D10];
	v7 =	vadd.f32 v7, v11;
	v1 =	vmovc v8  }
0xfe: {  	v3 =	vmax.f32 v3, $0.0e+00;
	v4 =	vadd.f32 v17, v16;
	v11 =	vld [tilespmem:s19+$0x4950];
	[tilespmem:s9+$0x7B10] =	vst v5;
	v5 =	vmax.f32 v9, $0.0e+00  }
0xff: {  	v6 =	vmax.f32 v6, $0.0e+00;
	v2 =	vmax.f32 v2, $0.0e+00;
	v9 =	vld [tilespmem:s19+$0x5D50];
	v7 =	vmax.f32 v7, $0.0e+00;
	[tilespmem:s9+$0x7B50] =	vst v5  }
0x100: {  	v8 =	vadd.f32 v12, v18;
	v12 =	vld [tilespmem:s19+$0x4920];
	[tilespmem:s19+$0x7B70] =	vst v7  }
0x101: {  	v14 =	vld [tilespmem:s19+$0x5D20];
	[tilespmem:s9+$0x7B20] =	vst v3  }
0x102: {  	v5 =	vadd.f32 v10, v13;
	v15 =	vld [tilespmem:s19+$0x4960];
	[tilespmem:s9+$0x7B60] =	vst v2  }
0x103: {  	v2 =	vld [tilespmem:s19+$0x5D60];
	[tilespmem:s9+$0x7B30] =	vst v6;
	s9 =	smov.u32 s19  }
0x104: {  	v9 =	vadd.f32 v9, v11;
	v6 =	vld [tilespmem:s9+$0x4930]  }
.Ltmp3:
0x105: {  	v7 =	vld [tilespmem:s9+$0x5D30];
	(pc) =	sbr.rel @p1 .LBB2_9-.Ltmp3, $4  }
0x106: {  	v13 =	vld [tilespmem:s9+$0x7100];
	v3 =	vadd.f32 v14, v12  }
0x107: {  	v12 =	vld [tilespmem:s9+$0x7110]  }
0x108: {  	s19 =	sshra.s32 s15, $0x2;
	v10 =	vld [tilespmem:s9+$0x7120];
	v2 =	vadd.f32 v2, v15  }
0x109: {  	s15 =	sadd.s32 $0x200, s15;
	v11 =	vld [tilespmem:s19+$0x4970]  }
0x10a: {  	v14 =	vld [tilespmem:s19+$0x5D70]  }
0x10b: {  	v15 =	vld [tilespmem:s19+$0x7130];
	v16 =	vshll.u32 v13, $0x10  }
0x10c: {  	v17 =	vld [tilespmem:s19+$0x4900];
	v38 =	vand.u32 $0xFFFF0000, v13;
	v4 =	vadd.f32 v16, v4  }
0x10d: {  	v37 =	vld [tilespmem:s19+$0x5D00];
	v8 =	vadd.f32 v38, v8  }
0x10e: {  	v18 =	vld [tilespmem:s19+$0x4940];
	v40 =	vshll.u32 v12, $0x10;
	v41 =	vand.u32 $0xFFFF0000, v12;
	v4 =	vmax.f32 v4, $0.0e+00  }
0x10f: {  	v39 =	vld [tilespmem:s19+$0x5D40];
	v8 =	vmax.f32 v8, $0.0e+00;
	[tilespmem:s9+$0x7B00] =	vst v4;
	v4 =	vadd.f32 v40, v5;
	v42 =	vadd.f32 v14, v11  }
0x110: {  	v49 =	vadd.f32 v7, v6;
	v5 =	vadd.f32 v41, v9;
	v44 =	vand.u32 $0xFFFF0000, v15;
	v19 =	vld [tilespmem:s19+$0x4910];
	[tilespmem:s9+$0x7B40] =	vst v8  }
0x111: {  	v47 =	vshll.u32 v10, $0x10;
	v8 =	vld [tilespmem:s19+$0x5D10];
	v4 =	vmax.f32 v4, $0.0e+00;
	v45 =	vadd.f32 v44, v42  }
0x112: {  	v48 =	vand.u32 $0xFFFF0000, v10;
	v3 =	vadd.f32 v47, v3;
	v43 =	vld [tilespmem:s19+$0x4950];
	v5 =	vmax.f32 v5, $0.0e+00;
	[tilespmem:s9+$0x7B10] =	vst v4  }
0x113: {  	v2 =	vadd.f32 v48, v2;
	v46 =	vld [tilespmem:s19+$0x5D50];
	[tilespmem:s9+$0x7B50] =	vst v5;
	v4 =	vmax.f32 v45, $0.0e+00  }
0x114: {  	v1 =	vadd.f32 v1, v49;
	v3 =	vmax.f32 v3, $0.0e+00;
	v5 =	vld [tilespmem:s19+$0x4920];
	[tilespmem:s19+$0x7B70] =	vst v4  }
0x115: {  	v2 =	vmax.f32 v2, $0.0e+00;
	v50 =	vld [tilespmem:s19+$0x5D20];
	[tilespmem:s9+$0x7B20] =	vst v3  }
0x116: {  	v1 =	vmax.f32 v1, $0.0e+00;
	v3 =	vld [tilespmem:s19+$0x4960];
	[tilespmem:s9+$0x7B60] =	vst v2  }
0x117: {  	v2 =	vld [tilespmem:s19+$0x5D60];
	[tilespmem:s9+$0x7B30] =	vst v1  }
0x118: {  	v1 =	vld [tilespmem:s19+$0x4930]  }
0x119: {  	v51 =	vld [tilespmem:s19+$0x7100]  }
0x11a: {  	v52 =	vld [tilespmem:s19+$0x5D30]  }
0x11b: {  	v55 =	vld [tilespmem:s19+$0x7120];
	_ =	sdelay $0x1  }
0x11c: {  	v54 =	vadd.f32 v37, v17;
	v13 =	vadd.f32 v39, v18;
	v62 =	vshll.u32 v15, $0x10;
	v53 =	vld [tilespmem:s19+$0x7110]  }
0x11d: {  	v8 =	vadd.f32 v8, v19;
	v5 =	vadd.f32 v50, v5;
	v56 =	vshll.u32 v51, $0x10  }
0x11e: {  	v2 =	vadd.f32 v2, v3;
	v3 =	vand.u32 $0xFFFF0000, v51;
	v57 =	vadd.f32 v56, v54  }
0x11f: {  	v1 =	vadd.f32 v52, v1;
	v60 =	vshll.u32 v55, $0x10;
	v3 =	vadd.f32 v3, v13  }
0x120: {  	v61 =	vand.u32 $0xFFFF0000, v55;
	v5 =	vadd.f32 v60, v5;
	v4 =	vmax.f32 v57, $0.0e+00  }
0x121: {  	v58 =	vshll.u32 v53, $0x10;
	v2 =	vadd.f32 v61, v2;
	v3 =	vmax.f32 v3, $0.0e+00;
	[tilespmem:s19+$0x7B00] =	vst v4  }
0x122: {  	v9 =	vadd.f32 v46, v43;
	v6 =	vadd.f32 v58, v8;
	v63 =	vmax.f32 v5, $0.0e+00;
	[tilespmem:s19+$0x7B40] =	vst v3  }
0x123: {  	v59 =	vand.u32 $0xFFFF0000, v53;
	v1 =	vadd.f32 v62, v1;
	v2 =	vmax.f32 v2, $0.0e+00;
	[tilespmem:s19+$0x7B20] =	vst v63  }
.Ltmp4:
0x124: {  	v7 =	vadd.f32 v59, v9;
	v3 =	vmax.f32 v6, $0.0e+00;
	[tilespmem:s19+$0x7B60] =	vst v2;
	(pc) =	sbr.rel @p0 .LBB2_12-.Ltmp4, $4  }
0x125: {  	v1 =	vmax.f32 v1, $0.0e+00;
	[tilespmem:s19+$0x7B10] =	vst v3  }
0x126: {  	v3 =	vmax.f32 v7, $0.0e+00;
	[tilespmem:s19+$0x7B30] =	vst v1  }
0x127: {  	[tilespmem:s19+$0x7B50] =	vst v3  }
0x128: {  	[spmem:s3] =	stream.indirect.scatter.add.f32 [tilespmem:s25], [sflag:$0x4], $0x80, s14, s23, $0xb8;
	[tilespmem:$0x1C780] =	vst v63  }
0x129: {  	_ =	swait.ge [sflag:s22], $0x28  }
0x12a: {  	[sflag:s22] =	ssyncset.done $0x0  }
0x12b: {  	[sflag:s22] =	ssyncadd.s32 $0xFFFFFFD8  }
0x12c: {  	_ =	swait.ge [sflag:s22], $0x28  }
0x12d: {  	[sflag:s22] =	ssyncset.done $0x0  }
0x12e: {  	s4 =	smul.u32 $0x50, s18;
	[sflag:s22] =	ssyncadd.s32 $0xFFFFFFD8  }
0x12f: {  	[tilespmem:s30], [sflag:$0x2] =	stream.indirect.gather [hbm4b:s1+s23], $0x80, s28, s23, $0xb8;
	[tilespmem:$0x1C780] =	vst v63  }
.Ltmp5:
0x130: {  	s4 =	sadd.s32 s4, s17;
	(pc) =	sbr.rel .LBB2_6-.Ltmp5, $4  }
0x131: {  	s4 =	sshll.u32 s4, $0x3  }
0x132: {  	[tilespmem:s31], [sflag:$0x2] =	stream.indirect.gather [hbm4b:s5+s23], $0x80, s29, s23, $0xb8;
	[tilespmem:$0x1C780] =	vst v63  }
0x133: {  	s9 =	simm.s32 $0x0;
	s18 =	sadd.s32 $0x1, s18;
	s4 =	sadd.s32 s6, s4  }
0x134: {  	[tilespmem:s0], [sflag:$0x2] =	stream.linear.gather [hbm4b:s4+s9], $0xA00, $0x38;
	[tilespmem:$0x1C780] =	vst v63  }
.LBB2_12:
0x135: {  	_ =	swait.ge [sflag:s10], $0x1400  }
0x136: {  	[sflag:s10] =	ssyncset.done $0x0  }
0x137: {  	[sflag:s10] =	ssyncadd.s32 $0xFFFFEC00  }
0x138: {  	_ =	swait.ge [sflag:s13], $0x1400  }
0x139: {  	s4 =	sadd.s32 $0x0, s2;
	[sflag:s13] =	ssyncset.done $0x0  }
0x13a: {  	p0 =	sgt.u32 s4, $0xF9;
	[sflag:s13] =	ssyncadd.s32 $0xFFFFEC00  }
0x13b: {  	s4 =	simm.s32 @!p0 $0x3500;
	[bflag:$0x0] =	sbarrier.arrive $0xFFFF  }
0x13c: {  	s9 =	simm.s32 @!p0 $0x8;
	p0 =	por p0, p0;
	s18 =	rddreg [dreg:$0xc]  }
0x13d: {  	[tilespmem:s4], [sflag:$0x8] =	stream.linear.gather @!p0 [spmem:s18], $0x1400, $0x38;
	[tilespmem:$0x1C780] =	vst v63  }
0x13e: {  	_ =	swait.ge @!p0 [sflag:s9], $0x1400  }
0x13f: {  	s21 =	sadd.s32 $0x10, s2;
	s19 =	simm.s32 @!p0 $0x7;
	[sflag:s9] =	ssyncset.done @!p0 $0x0  }
0x140: {  	s20 =	rddreg [dreg:$0xd];
	[sflag:s9] =	ssyncadd.s32 @!p0 $0xFFFFEC00;
	s9 =	simm.s32 @!p0 $0x0  }
0x141: {  	[hbm4b:s20+s9] =	stream.linear.scatter @!p0 [tilespmem:s4], [sflag:$0x7], $0x1400, $0x38;
	[tilespmem:$0x1C780] =	vst v63  }
0x142: {  	s15 =	simm.s32 $0x20;
	p1 =	sgt.u32 s21, $0xF9;
	_ =	swait.ge @!p0 [sflag:s19], $0x1400  }
0x143: {  	s18 =	sadd.s32 $0x14000, s18;
	s9 =	sadd.s32 $0x2800, s20;
	[sflag:s19] =	ssyncset.done @!p0 $0x0  }
.LBB2_13:
0x144: {  	s4 =	simm.s32 @!p1 $0x3500;
	s20 =	simm.s32 @!p1 $0x8;
	[sflag:s19] =	ssyncadd.s32 @!p0 $0xFFFFEC00  }
0x145: {  	s21 =	smov.u32 s15;
	p0 =	por p1, p1;
	s15 =	sadd.s32 $0x10, s15  }
0x146: {  	[tilespmem:s4], [sflag:$0x8] =	stream.linear.gather @!p0 [spmem:s18], $0x1400, $0x38;
	[tilespmem:$0x1C780] =	vst v63  }
0x147: {  	p2 =	sne.s32 s15, $0x100;
	_ =	swait.ge @!p0 [sflag:s20], $0x1400  }
.Ltmp6:
0x148: {  	[sflag:s20] =	ssyncset.done @!p0 $0x0;
	(pc) =	sbr.rel @p2 .LBB2_13-.Ltmp6, $4  }
0x149: {  	s19 =	simm.s32 @!p0 $0x7;
	[sflag:s20] =	ssyncadd.s32 @!p0 $0xFFFFEC00;
	s20 =	simm.s32 @!p0 $0x0  }
0x14a: {  	[hbm4b:s9+s20] =	stream.linear.scatter @!p0 [tilespmem:s4], [sflag:$0x7], $0x1400, $0x38;
	[tilespmem:$0x1C780] =	vst v63  }
0x14b: {  	s4 =	sadd.s32 s21, s2;
	s9 =	sadd.s32 $0x2800, s9;
	_ =	swait.ge @!p0 [sflag:s19], $0x1400  }
0x14c: {  	s18 =	sadd.s32 $0x14000, s18;
	p1 =	sgt.u32 s4, $0xF9;
	[sflag:s19] =	ssyncset.done @!p0 $0x0  }
0x14d: {  	s4 =	simm.s32 @!p1 $0x3500  }
0x14e: {  	s15 =	simm.s32 @!p1 $0x8;
	[sflag:s19] =	ssyncadd.s32 @!p0 $0xFFFFEC00;
	p0 =	por p1, p1  }
0x14f: {  	[tilespmem:s4], [sflag:$0x8] =	stream.linear.gather @!p0 [spmem:s18], $0x1400, $0x38;
	[tilespmem:$0x1C780] =	vst v63  }
0x150: {  	_ =	swait.ge @!p0 [sflag:s15], $0x1400  }
0x151: {  	[sflag:s15] =	ssyncset.done @!p0 $0x0  }
0x152: {  	s18 =	simm.s32 @!p0 $0x7;
	[sflag:s15] =	ssyncadd.s32 @!p0 $0xFFFFEC00;
	s15 =	simm.s32 @!p0 $0x0  }
0x153: {  	[hbm4b:s9+s15] =	stream.linear.scatter @!p0 [tilespmem:s4], [sflag:$0x7], $0x1400, $0x38;
	[tilespmem:$0x1C780] =	vst v63  }
0x154: {  	_ =	swait.ge @!p0 [sflag:s18], $0x1400  }
0x155: {  	s20 =	rddreg [dreg:$0xe]  }
0x156: {  	s21 =	rddreg [dreg:$0xb];
	s9 =	sadd.s32 $0x1, s20  }
0x157: {  	p1 =	sne.s32 s9, s21  }
.Ltmp7:
0x158: {  	_ = 	snop;
	(pc) =	sbr.rel @p1 .LBB2_1-.Ltmp7, $3  }
0x159: {  	_ =	sdelay $0x1  }
0x15a: {  	[sflag:s18] =	ssyncset.done @!p0 $0x0  }
0x15b: {  	[sflag:s18] =	ssyncadd.s32 @!p0 $0xFFFFEC00  }
0x15c: {  	_ =	sfence.sel $0x180000  }
0x15d: {  	[bflag:$0x0] =	sbarrier.arrive $0xFFFF  }
0x15e: {  	_ =	strace $0x90000047  }
0x15f: {  	[bflag:$0x2] =	sbarrier.arrive $0xFFFF  }
0x160: {  	p0 =	sne.s32 s2, $0x0;
	s0 =	rddreg [dreg:$0x3]  }
0x161: {  	s0 =	sadd.s32 @!p0 $0x100000, s0  }
0x162: {  	[sflag:s0] =	ssyncadd.tile.s32 @!p0 $0x1;
	_ =	shalt  }
.Lfunc_end2:
_tile_overlayer_lowered:
.L_overlay_start_2:
0x163: {  	(tag) =	ssettag $0x2  }
0x164: {  	s0 =	rddreg [dreg:$0x0];
	s2 =	stileid.u32  }
0x165: {  	s1 =	rddreg [dreg:$0x1];
	p0 =	sne.s32 s2, $0x0  }
0x166: {  	s3 =	rddreg [dreg:$0x2];
	[bflag:$0x3] =	sbarrier.arrive $0xFFFF;
	s2 =	simm.s32 @!p0 $0x1C07  }
0x167: {  	[timem:s3], [sflag:s2] =	dma.local @!p0 [hbm:s0], s1  }
0x168: {  	s0 =	simm.s32 @!p0 $0x7  }
0x169: {  	_ =	swait.ge @!p0 [sflag:s0], s1  }
0x16a: {  	s1 =	ssub.s32 @!p0 $0x0, s1;
	[sflag:s0] =	ssyncset.done @!p0 $0x0  }
0x16b: {  	[sflag:s0] =	ssyncadd.s32 @!p0 s1  }
0x16c: {  	[bflag:$0x3] =	sbarrier.arrive $0xFFFF  }
0x16d: {  	_ =	shalt  }

</sc_bundles>
